<compile_context>
chip_gen: v7x
topology: tpu7x:2x2x1
jax: 0.10.2.dev20260603
libtpu: 0.0.44.dev20260713+nightly
codegen_flags: <defaults>
</compile_context>

<pallas_src>
import functools

import jax
import jax.numpy as jnp
from jax import lax
from jax.experimental import pallas as pl
from jax.experimental.pallas import tpu as pltpu
from jax.experimental.pallas import tpu_sc as plsc

NC = 2
NS = 16
CH = 80
NB = 3


def _segsum_body(with_counts, nb, ch, n_nodes, n_feat, e_per_w, n_chunks, big,
                 *refs):
  if with_counts:
    (x_hbm, src_hbm, dst_hbm, zrow_hbm, ones_hbm, p_out, c_out) = refs[:7]
    rest = refs[7:]
  else:
    (x_hbm, src_hbm, dst_hbm, zrow_hbm, p_out) = refs[:5]
    ones_hbm = c_out = None
    rest = refs[5:]
  src_all, dst_all = rest[0], rest[1]
  rows = rest[2:2 + nb]
  acc = rest[2 + nb]
  gsem = rest[3 + nb:3 + 2 * nb]
  ssem = rest[3 + 2 * nb:3 + 3 * nb]
  ones_v = rows[0]

  c = lax.axis_index("c")
  s = lax.axis_index("s")
  wid = s * NC + c
  tail = n_nodes - NS * big

  def zero_acc():
    pltpu.sync_copy(zrow_hbm, acc.at[pl.ds(s * big, big)])

    @pl.when(s == 0)
    def _():
      pltpu.sync_copy(zrow_hbm.at[pl.ds(0, tail)],
                      acc.at[pl.ds(NS * big, tail)])

  def write_out(dst_arr):
    pltpu.sync_copy(acc.at[pl.ds(s * big, big)],
                    dst_arr.at[c, pl.ds(s * big, big)])

    @pl.when(s == 0)
    def _():
      pltpu.sync_copy(acc.at[pl.ds(NS * big, tail)],
                      dst_arr.at[c, pl.ds(NS * big, tail)])

  ebase = wid * e_per_w
  pltpu.sync_copy(src_hbm.at[pl.ds(ebase, e_per_w)], src_all)
  pltpu.sync_copy(dst_hbm.at[pl.ds(ebase, e_per_w)], dst_all)

  if with_counts:
    zero_acc()
    pltpu.sync_copy(ones_hbm, ones_v)
    plsc.subcore_barrier()

    def cdesc(j, b):
      return pltpu.make_async_copy(
          ones_v, acc.at[dst_all.at[pl.ds(j * ch, ch)]], ssem[b])

    for j in range(nb):
      cdesc(j, j).start(add=True)

    tc = (n_chunks - nb) // nb

    @pl.loop(nb, nb + tc * nb, step=nb)
    def _(j0):
      for k2 in range(nb):
        j = j0 + k2
        cdesc(j - nb, k2).wait()
        cdesc(j, k2).start(add=True)

    for j in range(nb + tc * nb, n_chunks):
      cdesc(j - nb, j % nb).wait()
      cdesc(j, j % nb).start(add=True)

    for db in range(nb):
      j = n_chunks - nb + db
      cdesc(j, j % nb).wait()

    plsc.subcore_barrier()
    write_out(c_out)
    plsc.subcore_barrier()

  zero_acc()
  plsc.subcore_barrier()

  hh = ch // 2

  class gdesc:
    def __init__(self, j, b):
      self.d = [
          pltpu.make_async_copy(
              x_hbm.at[src_all.at[pl.ds(j * ch + h * hh, hh)]],
              rows[b].at[pl.ds(h * hh, hh)], gsem[b])
          for h in (0, 1)
      ]

    def start(self):
      for d in self.d:
        d.start()

    def wait(self):
      for d in self.d:
        d.wait()

  def sdesc(j, b):
    return pltpu.make_async_copy(
        rows[b], acc.at[dst_all.at[pl.ds(j * ch, ch)]], ssem[b])

  P = nb
  gdesc(0, 0).start()
  for j in range(P):
    if j + 1 >= nb:
      sdesc(j + 1 - nb, (j + 1) % nb).wait()
    gdesc(j + 1, (j + 1) % nb).start()
    gdesc(j, j % nb).wait()
    sdesc(j, j % nb).start(add=True)

  tr = (n_chunks - 1 - P) // nb

  @pl.loop(P, P + tr * nb, step=nb)
  def _(j0):
    for k2 in range(nb):
      j = j0 + k2
      b = (P + k2) % nb
      bn = (P + k2 + 1) % nb
      sdesc(j + 1 - nb, bn).wait()
      gdesc(j + 1, bn).start()
      gdesc(j, b).wait()
      sdesc(j, b).start(add=True)

  for j in range(P + tr * nb, n_chunks):
    if j + 1 < n_chunks:
      sdesc(j + 1 - nb, (j + 1) % nb).wait()
      gdesc(j + 1, (j + 1) % nb).start()
    gdesc(j, j % nb).wait()
    sdesc(j, j % nb).start(add=True)

  for db in range(nb):
    j = n_chunks - nb + db
    sdesc(j, j % nb).wait()

  plsc.subcore_barrier()
  write_out(p_out)


@functools.partial(jax.jit, static_argnums=(3,))
def _segsum(x, src, dst, with_counts):
  n_nodes, n_feat = x.shape
  n_edges = src.shape[0]
  nw = NC * NS
  e_per_w = n_edges // nw
  nb = NB
  ch = CH
  n_chunks = e_per_w // ch
  assert e_per_w * nw == n_edges and n_chunks * ch == e_per_w
  assert n_chunks >= 2 * nb + 2
  big = (n_nodes // NS) // 8 * 8
  tail = n_nodes - NS * big
  assert 0 < tail <= big

  mesh = plsc.VectorSubcoreMesh(core_axis_name="c", subcore_axis_name="s")
  out_type = [jax.ShapeDtypeStruct((NC, n_nodes, n_feat), jnp.float32)]
  inputs = [x, src, dst, jnp.zeros((big, n_feat), jnp.float32)]
  scratch = [
      pltpu.VMEM((e_per_w,), jnp.int32),
      pltpu.VMEM((e_per_w,), jnp.int32),
  ] + [pltpu.VMEM((ch, n_feat), jnp.float32) for _ in range(nb)]
  if with_counts:
    out_type.append(jax.ShapeDtypeStruct((NC, n_nodes, n_feat), jnp.float32))
    inputs.append(jnp.ones((ch, n_feat), jnp.float32))
  scratch.append(pltpu.VMEM_SHARED((n_nodes, n_feat), jnp.float32))
  scratch += [pltpu.SemaphoreType.DMA for _ in range(2 * nb)]

  body = functools.partial(_segsum_body, with_counts, nb, ch, n_nodes, n_feat,
                           e_per_w, n_chunks, big)
  fn = pl.kernel(body, out_type=out_type, mesh=mesh, scratch_types=scratch)
  return fn(*inputs)


def _dense_body(relu, p_ref, c_ref, x_ref, wl_ref, b_ref, wr_ref, o_ref):
  ssum = p_ref[0] + p_ref[1]
  cnt = c_ref[0][:, 0:1] + c_ref[1][:, 0:1]
  mean = ssum / jnp.maximum(cnt, 1.0)
  acc = lax.dot_general(mean, wl_ref[...], (((1,), (1,)), ((), ())),
                        preferred_element_type=jnp.float32)
  acc = acc + lax.dot_general(x_ref[...], wr_ref[...], (((1,), (1,)), ((), ())),
                              preferred_element_type=jnp.float32)
  acc = acc + b_ref[...]
  o_ref[...] = jnp.maximum(acc, 0.0) if relu else acc


def _dense(p, cpart, x, wl, bl, wr, relu):
  n, f = x.shape
  blk = 1000
  grid = (n // blk,)
  body = functools.partial(_dense_body, relu)
  return pl.pallas_call(
      body,
      grid=grid,
      in_specs=[
          pl.BlockSpec((NC, blk, f), lambda i: (0, i, 0)),
          pl.BlockSpec((NC, blk, f), lambda i: (0, i, 0)),
          pl.BlockSpec((blk, f), lambda i: (i, 0)),
          pl.BlockSpec((f, f), lambda i: (0, 0)),
          pl.BlockSpec((1, f), lambda i: (0, 0)),
          pl.BlockSpec((f, f), lambda i: (0, 0)),
      ],
      out_specs=pl.BlockSpec((blk, f), lambda i: (i, 0)),
      out_shape=jax.ShapeDtypeStruct((n, f), jnp.float32),
  )(p, cpart, x, wl, bl.reshape(1, f), wr)


def kernel(x, edge_index, lin1_W, lin1_b, c1_Wl, c1_bl, c1_Wr,
           c2_Wl, c2_bl, c2_Wr):
  e32 = edge_index.astype(jnp.int32)
  src = e32[0]
  dst = e32[1]

  p1, cpart = _segsum(x, src, dst, True)
  h = _dense(p1, cpart, x, c1_Wl, c1_bl, c1_Wr, True)
  (p2,) = _segsum(h, src, dst, False)
  out = _dense(p2, cpart, h, c2_Wl, c2_bl, c2_Wr, False)
  return out

# --- scband reference (transcript-rebuilt; emitter-appended) ---
"""Pipeline reference for scband-graph-sage-89601607729381 (READ-ONLY COPY).

The authoritative reference and input builder live on the scoring server;
editing this copy changes nothing except your own understanding.
"""

import jax, jax.numpy as jnp
import numpy as np

N_NODES = 10000
N_EDGES = 320000
IN_CH = 128
HID_CH = 128
OUT_CH = 128


def _sage_conv(x, edge_index, W_l, b_l, W_r):
    # PyG SAGEConv (aggr='mean'): out = lin_l(mean_j x_j) + lin_r(x_i)
    src = edge_index[0]
    dst = edge_index[1]
    n = x.shape[0]
    msgs = jnp.take(x, src, axis=0)
    agg = jax.ops.segment_sum(msgs, dst, num_segments=n)
    cnt = jax.ops.segment_sum(jnp.ones((msgs.shape[0], 1), dtype=x.dtype), dst, num_segments=n)
    mean = agg / jnp.clip(cnt, 1.0)
    return mean @ W_l.T + b_l + x @ W_r.T


def setup_inputs(seed: int = 0) -> dict:
    key = jax.random.key(seed)
    ks = jax.random.split(key, 10)
    x = jax.random.normal(ks[0], (N_NODES, IN_CH), dtype=jnp.float32)
    edge_index = jax.random.randint(ks[1], (2, N_EDGES), 0, N_NODES, dtype=jnp.int64)
    s1 = 1.0 / np.sqrt(IN_CH)
    s2 = 1.0 / np.sqrt(HID_CH)
    return {
        "x": x,
        "edge_index": edge_index,
        "lin1_W": jax.random.uniform(ks[2], (OUT_CH, IN_CH), jnp.float32, -s1, s1),
        "lin1_b": jax.random.uniform(ks[3], (OUT_CH,), jnp.float32, -s1, s1),
        "c1_Wl": jax.random.uniform(ks[4], (HID_CH, IN_CH), jnp.float32, -s1, s1),
        "c1_bl": jax.random.uniform(ks[5], (HID_CH,), jnp.float32, -s1, s1),
        "c1_Wr": jax.random.uniform(ks[6], (HID_CH, IN_CH), jnp.float32, -s1, s1),
        "c2_Wl": jax.random.uniform(ks[7], (OUT_CH, HID_CH), jnp.float32, -s2, s2),
        "c2_bl": jax.random.uniform(ks[8], (OUT_CH,), jnp.float32, -s2, s2),
        "c2_Wr": jax.random.uniform(ks[9], (OUT_CH, HID_CH), jnp.float32, -s2, s2),
    }


def reference(x, edge_index, lin1_W, lin1_b, c1_Wl, c1_bl, c1_Wr, c2_Wl, c2_bl, c2_Wr):
    # initial_x is computed in the original forward but never used downstream
    initial_x = x @ lin1_W.T + lin1_b
    # dropout in eval mode is identity
    h = _sage_conv(x, edge_index, c1_Wl, c1_bl, c1_Wr)
    h = jax.nn.relu(h)
    out = _sage_conv(h, edge_index, c2_Wl, c2_bl, c2_Wr)
    return out

if __name__ == "__main__":
    import jax
    _d = setup_inputs()
    print(jax.jit(kernel)(*tuple(_d.values())))

</pallas_src>

<mosaic_0001>
#map = affine_map<(d0, d1) -> (0, 0)>
#map1 = affine_map<(d0, d1) -> (0)>
#map2 = affine_map<(d0, d1) -> (0, 0, 0)>
module attributes {stable_mosaic.version = 14 : i64} {
  func.func @_segsum_body(%arg0: i32, %arg1: i32, %arg2: memref<10000x128xf32, #tpu.memory_space<hbm>>, %arg3: memref<320000xi32, #tpu.memory_space<hbm>>, %arg4: memref<320000xi32, #tpu.memory_space<hbm>>, %arg5: memref<624x128xf32, #tpu.memory_space<hbm>>, %arg6: memref<80x128xf32, #tpu.memory_space<hbm>>, %arg7: memref<2x10000x128xf32, #tpu.memory_space<hbm>>, %arg8: memref<2x10000x128xf32, #tpu.memory_space<hbm>>, %arg9: memref<10000xi32, #tpu.memory_space<vmem>>, %arg10: memref<10000xi32, #tpu.memory_space<vmem>>, %arg11: memref<80x128xf32, #tpu.memory_space<vmem>>, %arg12: memref<80x128xf32, #tpu.memory_space<vmem>>, %arg13: memref<80x128xf32, #tpu.memory_space<vmem>>, %arg14: memref<10000x128xf32, #tpu.memory_space<vmem_shared>>, %arg15: memref<!tpu.dma_semaphore, #tpu.memory_space<semaphore_mem>>, %arg16: memref<!tpu.dma_semaphore, #tpu.memory_space<semaphore_mem>>, %arg17: memref<!tpu.dma_semaphore, #tpu.memory_space<semaphore_mem>>, %arg18: memref<!tpu.dma_semaphore, #tpu.memory_space<semaphore_mem>>, %arg19: memref<!tpu.dma_semaphore, #tpu.memory_space<semaphore_mem>>, %arg20: memref<!tpu.dma_semaphore, #tpu.memory_space<semaphore_mem>>) attributes {dimension_semantics = [#tpu.dimension_semantics<core_parallel>, #tpu.dimension_semantics<subcore_parallel>], iteration_bounds = array<i64: 2, 16>, scalar_prefetch = 0 : i64, scratch_operands = 12 : i64, tpu.core_type = #tpu.core_type<sc_vector_subcore>, window_params = [{transform_indices = #map}, {transform_indices = #map1}, {transform_indices = #map1}, {transform_indices = #map}, {transform_indices = #map}, {transform_indices = #map2}, {transform_indices = #map2}]} {
    %mul3A = arith.constant 2 : i32
    %mul3A_0 = arith.muli %arg1, %mul3A : i32
    %add3A = arith.addi %mul3A_0, %arg0 : i32
    %mul3A_1 = arith.constant 10000 : i32
    %mul3A_2 = arith.muli %add3A, %mul3A_1 : i32
    "tpu.region"() ({
      %run_scoped3A = tpu.sem_alloc : memref<!tpu.dma_semaphore, #tpu.memory_space<semaphore_mem>>
      %dma_start3A_303 = tpu.memref_slice %arg3[%mul3A_2] : memref<320000xi32, #tpu.memory_space<hbm>> -> memref<10000xi32, #tpu.memory_space<hbm>>
      %dma_start3A_304 = tpu.memref_slice %arg3[%mul3A_2] : memref<320000xi32, #tpu.memory_space<hbm>> -> memref<10000xi32, #tpu.memory_space<hbm>>
      tpu.enqueue_dma source(%dma_start3A_304 : memref<10000xi32, #tpu.memory_space<hbm>>) target(%arg9 : memref<10000xi32, #tpu.memory_space<vmem>>) target_semaphore(%run_scoped3A : memref<!tpu.dma_semaphore, #tpu.memory_space<semaphore_mem>>)
      %dma_wait3A_305 = tpu.memref_slice %arg3[%mul3A_2] : memref<320000xi32, #tpu.memory_space<hbm>> -> memref<10000xi32, #tpu.memory_space<hbm>>
      %dma_wait3A_306 = tpu.memref_slice %arg3[%mul3A_2] : memref<320000xi32, #tpu.memory_space<hbm>> -> memref<10000xi32, #tpu.memory_space<hbm>>
      tpu.wait_dma2 semaphore(%run_scoped3A : memref<!tpu.dma_semaphore, #tpu.memory_space<semaphore_mem>>) src(%dma_wait3A_306 : memref<10000xi32, #tpu.memory_space<hbm>>) dst(%arg9 : memref<10000xi32, #tpu.memory_space<vmem>>)
      tpu.yield
    }) : () -> ()
    "tpu.region"() ({
      %run_scoped3A = tpu.sem_alloc : memref<!tpu.dma_semaphore, #tpu.memory_space<semaphore_mem>>
      %dma_start3A_303 = tpu.memref_slice %arg4[%mul3A_2] : memref<320000xi32, #tpu.memory_space<hbm>> -> memref<10000xi32, #tpu.memory_space<hbm>>
      %dma_start3A_304 = tpu.memref_slice %arg4[%mul3A_2] : memref<320000xi32, #tpu.memory_space<hbm>> -> memref<10000xi32, #tpu.memory_space<hbm>>
      tpu.enqueue_dma source(%dma_start3A_304 : memref<10000xi32, #tpu.memory_space<hbm>>) target(%arg10 : memref<10000xi32, #tpu.memory_space<vmem>>) target_semaphore(%run_scoped3A : memref<!tpu.dma_semaphore, #tpu.memory_space<semaphore_mem>>)
      %dma_wait3A_305 = tpu.memref_slice %arg4[%mul3A_2] : memref<320000xi32, #tpu.memory_space<hbm>> -> memref<10000xi32, #tpu.memory_space<hbm>>
      %dma_wait3A_306 = tpu.memref_slice %arg4[%mul3A_2] : memref<320000xi32, #tpu.memory_space<hbm>> -> memref<10000xi32, #tpu.memory_space<hbm>>
      tpu.wait_dma2 semaphore(%run_scoped3A : memref<!tpu.dma_semaphore, #tpu.memory_space<semaphore_mem>>) src(%dma_wait3A_306 : memref<10000xi32, #tpu.memory_space<hbm>>) dst(%arg10 : memref<10000xi32, #tpu.memory_space<vmem>>)
      tpu.yield
    }) : () -> ()
    %mul3A_3 = arith.constant 624 : i32
    %mul3A_4 = arith.muli %arg1, %mul3A_3 : i32
    "tpu.region"() ({
      %run_scoped3A = tpu.sem_alloc : memref<!tpu.dma_semaphore, #tpu.memory_space<semaphore_mem>>
      %dma_start3A_303 = arith.constant 0 : i32
      %dma_start3A_304 = tpu.memref_slice %arg14[%mul3A_4, %dma_start3A_303] : memref<10000x128xf32, #tpu.memory_space<vmem_shared>> -> memref<624x128xf32, #tpu.memory_space<vmem_shared>>
      tpu.enqueue_dma source(%arg5 : memref<624x128xf32, #tpu.memory_space<hbm>>) target(%dma_start3A_304 : memref<624x128xf32, #tpu.memory_space<vmem_shared>>) target_semaphore(%run_scoped3A : memref<!tpu.dma_semaphore, #tpu.memory_space<semaphore_mem>>)
      %dma_wait3A_305 = arith.constant 0 : i32
      %dma_wait3A_306 = tpu.memref_slice %arg14[%mul3A_4, %dma_wait3A_305] : memref<10000x128xf32, #tpu.memory_space<vmem_shared>> -> memref<624x128xf32, #tpu.memory_space<vmem_shared>>
      tpu.wait_dma2 semaphore(%run_scoped3A : memref<!tpu.dma_semaphore, #tpu.memory_space<semaphore_mem>>) src(%arg5 : memref<624x128xf32, #tpu.memory_space<hbm>>) dst(%dma_wait3A_306 : memref<624x128xf32, #tpu.memory_space<vmem_shared>>)
      tpu.yield
    }) : () -> ()
    %eq3A = arith.constant 0 : i32
    %eq3A_5 = arith.cmpi eq, %arg1, %eq3A : i32
    %convert_element_type3A = arith.extui %eq3A_5 : i1 to i32
    %cond3A = arith.constant 0 : i32
    %cond3A_6 = arith.cmpi ne, %convert_element_type3A, %cond3A : i32
    scf.if %cond3A_6 {
      "tpu.region"() ({
        %run_scoped3A = tpu.sem_alloc : memref<!tpu.dma_semaphore, #tpu.memory_space<semaphore_mem>>
        %dma_start3A_303 = arith.constant 9984 : i32
        %dma_start3A_304 = arith.constant 0 : i32
        %dma_start3A_305 = tpu.memref_slice %arg14[%dma_start3A_303, %dma_start3A_304] : memref<10000x128xf32, #tpu.memory_space<vmem_shared>> -> memref<16x128xf32, #tpu.memory_space<vmem_shared>>
        %dma_start3A_306 = arith.constant 0 : i32
        %dma_start3A_307 = arith.constant 0 : i32
        %dma_start3A_308 = tpu.memref_slice %arg5[%dma_start3A_306, %dma_start3A_307] : memref<624x128xf32, #tpu.memory_space<hbm>> -> memref<16x128xf32, #tpu.memory_space<hbm>>
        tpu.enqueue_dma source(%dma_start3A_308 : memref<16x128xf32, #tpu.memory_space<hbm>>) target(%dma_start3A_305 : memref<16x128xf32, #tpu.memory_space<vmem_shared>>) target_semaphore(%run_scoped3A : memref<!tpu.dma_semaphore, #tpu.memory_space<semaphore_mem>>)
        %dma_wait3A_309 = arith.constant 9984 : i32
        %dma_wait3A_310 = arith.constant 0 : i32
        %dma_wait3A_311 = tpu.memref_slice %arg14[%dma_wait3A_309, %dma_wait3A_310] : memref<10000x128xf32, #tpu.memory_space<vmem_shared>> -> memref<16x128xf32, #tpu.memory_space<vmem_shared>>
        %dma_wait3A_312 = arith.constant 0 : i32
        %dma_wait3A_313 = arith.constant 0 : i32
        %dma_wait3A_314 = tpu.memref_slice %arg5[%dma_wait3A_312, %dma_wait3A_313] : memref<624x128xf32, #tpu.memory_space<hbm>> -> memref<16x128xf32, #tpu.memory_space<hbm>>
        tpu.wait_dma2 semaphore(%run_scoped3A : memref<!tpu.dma_semaphore, #tpu.memory_space<semaphore_mem>>) src(%dma_wait3A_314 : memref<16x128xf32, #tpu.memory_space<hbm>>) dst(%dma_wait3A_311 : memref<16x128xf32, #tpu.memory_space<vmem_shared>>)
        tpu.yield
      }) : () -> ()
    } else {
    }
    "tpu.region"() ({
      %run_scoped3A = tpu.sem_alloc : memref<!tpu.dma_semaphore, #tpu.memory_space<semaphore_mem>>
      tpu.enqueue_dma source(%arg6 : memref<80x128xf32, #tpu.memory_space<hbm>>) target(%arg11 : memref<80x128xf32, #tpu.memory_space<vmem>>) target_semaphore(%run_scoped3A : memref<!tpu.dma_semaphore, #tpu.memory_space<semaphore_mem>>)
      tpu.wait_dma2 semaphore(%run_scoped3A : memref<!tpu.dma_semaphore, #tpu.memory_space<semaphore_mem>>) src(%arg6 : memref<80x128xf32, #tpu.memory_space<hbm>>) dst(%arg11 : memref<80x128xf32, #tpu.memory_space<vmem>>)
      tpu.yield
    }) : () -> ()
    %barrier3A = arith.constant 0 : index
    tpu.barrier barrier_id(%barrier3A)
    %dma_start3A = arith.constant 0 : i32
    %dma_start3A_7 = tpu.memref_slice %arg10[%dma_start3A] : memref<10000xi32, #tpu.memory_space<vmem>> -> memref<80xi32, #tpu.memory_space<vmem>>
    %dma_start3A_8 = arith.constant 0 : i32
    %dma_start3A_9 = arith.constant 0 : i32
    %dma_start3A_10 = tpu.memref_slice %arg14[%dma_start3A_8, %dma_start3A_9] : memref<10000x128xf32, #tpu.memory_space<vmem_shared>> -> memref<10000x128xf32, #tpu.memory_space<vmem_shared>>
    tpu.enqueue_indirect_dma source(%arg11 : memref<80x128xf32, #tpu.memory_space<vmem>>) target(%dma_start3A_10 : memref<10000x128xf32, #tpu.memory_space<vmem_shared>>) offsets(%dma_start3A_7 : memref<80xi32, #tpu.memory_space<vmem>>) semaphore(%arg18 : memref<!tpu.dma_semaphore, #tpu.memory_space<semaphore_mem>>) {add = true}
    %dma_start3A_11 = arith.constant 80 : i32
    %dma_start3A_12 = tpu.memref_slice %arg10[%dma_start3A_11] : memref<10000xi32, #tpu.memory_space<vmem>> -> memref<80xi32, #tpu.memory_space<vmem>>
    %dma_start3A_13 = arith.constant 0 : i32
    %dma_start3A_14 = arith.constant 0 : i32
    %dma_start3A_15 = tpu.memref_slice %arg14[%dma_start3A_13, %dma_start3A_14] : memref<10000x128xf32, #tpu.memory_space<vmem_shared>> -> memref<10000x128xf32, #tpu.memory_space<vmem_shared>>
    tpu.enqueue_indirect_dma source(%arg11 : memref<80x128xf32, #tpu.memory_space<vmem>>) target(%dma_start3A_15 : memref<10000x128xf32, #tpu.memory_space<vmem_shared>>) offsets(%dma_start3A_12 : memref<80xi32, #tpu.memory_space<vmem>>) semaphore(%arg19 : memref<!tpu.dma_semaphore, #tpu.memory_space<semaphore_mem>>) {add = true}
    %dma_start3A_16 = arith.constant 160 : i32
    %dma_start3A_17 = tpu.memref_slice %arg10[%dma_start3A_16] : memref<10000xi32, #tpu.memory_space<vmem>> -> memref<80xi32, #tpu.memory_space<vmem>>
    %dma_start3A_18 = arith.constant 0 : i32
    %dma_start3A_19 = arith.constant 0 : i32
    %dma_start3A_20 = tpu.memref_slice %arg14[%dma_start3A_18, %dma_start3A_19] : memref<10000x128xf32, #tpu.memory_space<vmem_shared>> -> memref<10000x128xf32, #tpu.memory_space<vmem_shared>>
    tpu.enqueue_indirect_dma source(%arg11 : memref<80x128xf32, #tpu.memory_space<vmem>>) target(%dma_start3A_20 : memref<10000x128xf32, #tpu.memory_space<vmem_shared>>) offsets(%dma_start3A_17 : memref<80xi32, #tpu.memory_space<vmem>>) semaphore(%arg20 : memref<!tpu.dma_semaphore, #tpu.memory_space<semaphore_mem>>) {add = true}
    %scan3A = arith.constant 0 : i32
    %scan3A_21 = arith.constant 40 : i32
    %scan3A_22 = arith.addi %scan3A, %scan3A_21 : i32
    %scan3A_23 = arith.constant 1 : i32
    scf.for %scan3A_303 = %scan3A to %scan3A_22 step %scan3A_23  : i32 {
      %mul3A_304 = arith.constant 3 : i32
      %mul3A_305 = arith.muli %scan3A_303, %mul3A_304 : i32
      %add3A_306 = arith.constant 3 : i32
      %add3A_307 = arith.addi %add3A_306, %mul3A_305 : i32
      %add3A_308 = arith.constant 0 : i32
      %add3A_309 = arith.addi %add3A_307, %add3A_308 : i32
      %sub3A = arith.constant 3 : i32
      %sub3A_310 = arith.subi %add3A_309, %sub3A : i32
      %mul3A_311 = arith.constant 80 : i32
      %mul3A_312 = arith.muli %sub3A_310, %mul3A_311 : i32
      %dma_wait3A_313 = tpu.memref_slice %arg10[%mul3A_312] : memref<10000xi32, #tpu.memory_space<vmem>> -> memref<80xi32, #tpu.memory_space<vmem>>
      %dma_wait3A_314 = arith.constant 0 : i32
      %dma_wait3A_315 = arith.constant 0 : i32
      %dma_wait3A_316 = tpu.memref_slice %arg14[%dma_wait3A_314, %dma_wait3A_315] : memref<10000x128xf32, #tpu.memory_space<vmem_shared>> -> memref<10000x128xf32, #tpu.memory_space<vmem_shared>>
      tpu.wait_indirect_dma semaphore(%arg18 : memref<!tpu.dma_semaphore, #tpu.memory_space<semaphore_mem>>) src(%arg11 : memref<80x128xf32, #tpu.memory_space<vmem>>) dst(%dma_wait3A_316 : memref<10000x128xf32, #tpu.memory_space<vmem_shared>>)
      %mul3A_317 = arith.constant 80 : i32
      %mul3A_318 = arith.muli %add3A_309, %mul3A_317 : i32
      %dma_start3A_319 = tpu.memref_slice %arg10[%mul3A_318] : memref<10000xi32, #tpu.memory_space<vmem>> -> memref<80xi32, #tpu.memory_space<vmem>>
      %dma_start3A_320 = arith.constant 0 : i32
      %dma_start3A_321 = arith.constant 0 : i32
      %dma_start3A_322 = tpu.memref_slice %arg14[%dma_start3A_320, %dma_start3A_321] : memref<10000x128xf32, #tpu.memory_space<vmem_shared>> -> memref<10000x128xf32, #tpu.memory_space<vmem_shared>>
      tpu.enqueue_indirect_dma source(%arg11 : memref<80x128xf32, #tpu.memory_space<vmem>>) target(%dma_start3A_322 : memref<10000x128xf32, #tpu.memory_space<vmem_shared>>) offsets(%dma_start3A_319 : memref<80xi32, #tpu.memory_space<vmem>>) semaphore(%arg18 : memref<!tpu.dma_semaphore, #tpu.memory_space<semaphore_mem>>) {add = true}
      %add3A_323 = arith.constant 1 : i32
      %add3A_324 = arith.addi %add3A_307, %add3A_323 : i32
      %sub3A_325 = arith.constant 3 : i32
      %sub3A_326 = arith.subi %add3A_324, %sub3A_325 : i32
      %mul3A_327 = arith.constant 80 : i32
      %mul3A_328 = arith.muli %sub3A_326, %mul3A_327 : i32
      %dma_wait3A_329 = tpu.memref_slice %arg10[%mul3A_328] : memref<10000xi32, #tpu.memory_space<vmem>> -> memref<80xi32, #tpu.memory_space<vmem>>
      %dma_wait3A_330 = arith.constant 0 : i32
      %dma_wait3A_331 = arith.constant 0 : i32
      %dma_wait3A_332 = tpu.memref_slice %arg14[%dma_wait3A_330, %dma_wait3A_331] : memref<10000x128xf32, #tpu.memory_space<vmem_shared>> -> memref<10000x128xf32, #tpu.memory_space<vmem_shared>>
      tpu.wait_indirect_dma semaphore(%arg19 : memref<!tpu.dma_semaphore, #tpu.memory_space<semaphore_mem>>) src(%arg11 : memref<80x128xf32, #tpu.memory_space<vmem>>) dst(%dma_wait3A_332 : memref<10000x128xf32, #tpu.memory_space<vmem_shared>>)
      %mul3A_333 = arith.constant 80 : i32
      %mul3A_334 = arith.muli %add3A_324, %mul3A_333 : i32
      %dma_start3A_335 = tpu.memref_slice %arg10[%mul3A_334] : memref<10000xi32, #tpu.memory_space<vmem>> -> memref<80xi32, #tpu.memory_space<vmem>>
      %dma_start3A_336 = arith.constant 0 : i32
      %dma_start3A_337 = arith.constant 0 : i32
      %dma_start3A_338 = tpu.memref_slice %arg14[%dma_start3A_336, %dma_start3A_337] : memref<10000x128xf32, #tpu.memory_space<vmem_shared>> -> memref<10000x128xf32, #tpu.memory_space<vmem_shared>>
      tpu.enqueue_indirect_dma source(%arg11 : memref<80x128xf32, #tpu.memory_space<vmem>>) target(%dma_start3A_338 : memref<10000x128xf32, #tpu.memory_space<vmem_shared>>) offsets(%dma_start3A_335 : memref<80xi32, #tpu.memory_space<vmem>>) semaphore(%arg19 : memref<!tpu.dma_semaphore, #tpu.memory_space<semaphore_mem>>) {add = true}
      %add3A_339 = arith.constant 2 : i32
      %add3A_340 = arith.addi %add3A_307, %add3A_339 : i32
      %sub3A_341 = arith.constant 3 : i32
      %sub3A_342 = arith.subi %add3A_340, %sub3A_341 : i32
      %mul3A_343 = arith.constant 80 : i32
      %mul3A_344 = arith.muli %sub3A_342, %mul3A_343 : i32
      %dma_wait3A_345 = tpu.memref_slice %arg10[%mul3A_344] : memref<10000xi32, #tpu.memory_space<vmem>> -> memref<80xi32, #tpu.memory_space<vmem>>
      %dma_wait3A_346 = arith.constant 0 : i32
      %dma_wait3A_347 = arith.constant 0 : i32
      %dma_wait3A_348 = tpu.memref_slice %arg14[%dma_wait3A_346, %dma_wait3A_347] : memref<10000x128xf32, #tpu.memory_space<vmem_shared>> -> memref<10000x128xf32, #tpu.memory_space<vmem_shared>>
      tpu.wait_indirect_dma semaphore(%arg20 : memref<!tpu.dma_semaphore, #tpu.memory_space<semaphore_mem>>) src(%arg11 : memref<80x128xf32, #tpu.memory_space<vmem>>) dst(%dma_wait3A_348 : memref<10000x128xf32, #tpu.memory_space<vmem_shared>>)
      %mul3A_349 = arith.constant 80 : i32
      %mul3A_350 = arith.muli %add3A_340, %mul3A_349 : i32
      %dma_start3A_351 = tpu.memref_slice %arg10[%mul3A_350] : memref<10000xi32, #tpu.memory_space<vmem>> -> memref<80xi32, #tpu.memory_space<vmem>>
      %dma_start3A_352 = arith.constant 0 : i32
      %dma_start3A_353 = arith.constant 0 : i32
      %dma_start3A_354 = tpu.memref_slice %arg14[%dma_start3A_352, %dma_start3A_353] : memref<10000x128xf32, #tpu.memory_space<vmem_shared>> -> memref<10000x128xf32, #tpu.memory_space<vmem_shared>>
      tpu.enqueue_indirect_dma source(%arg11 : memref<80x128xf32, #tpu.memory_space<vmem>>) target(%dma_start3A_354 : memref<10000x128xf32, #tpu.memory_space<vmem_shared>>) offsets(%dma_start3A_351 : memref<80xi32, #tpu.memory_space<vmem>>) semaphore(%arg20 : memref<!tpu.dma_semaphore, #tpu.memory_space<semaphore_mem>>) {add = true}
    }
    %scan3A_24 = arith.constant 40 : i32
    %dma_wait3A = arith.constant 9600 : i32
    %dma_wait3A_25 = tpu.memref_slice %arg10[%dma_wait3A] : memref<10000xi32, #tpu.memory_space<vmem>> -> memref<80xi32, #tpu.memory_space<vmem>>
    %dma_wait3A_26 = arith.constant 0 : i32
    %dma_wait3A_27 = arith.constant 0 : i32
    %dma_wait3A_28 = tpu.memref_slice %arg14[%dma_wait3A_26, %dma_wait3A_27] : memref<10000x128xf32, #tpu.memory_space<vmem_shared>> -> memref<10000x128xf32, #tpu.memory_space<vmem_shared>>
    tpu.wait_indirect_dma semaphore(%arg18 : memref<!tpu.dma_semaphore, #tpu.memory_space<semaphore_mem>>) src(%arg11 : memref<80x128xf32, #tpu.memory_space<vmem>>) dst(%dma_wait3A_28 : memref<10000x128xf32, #tpu.memory_space<vmem_shared>>)
    %dma_start3A_29 = arith.constant 9840 : i32
    %dma_start3A_30 = tpu.memref_slice %arg10[%dma_start3A_29] : memref<10000xi32, #tpu.memory_space<vmem>> -> memref<80xi32, #tpu.memory_space<vmem>>
    %dma_start3A_31 = arith.constant 0 : i32
    %dma_start3A_32 = arith.constant 0 : i32
    %dma_start3A_33 = tpu.memref_slice %arg14[%dma_start3A_31, %dma_start3A_32] : memref<10000x128xf32, #tpu.memory_space<vmem_shared>> -> memref<10000x128xf32, #tpu.memory_space<vmem_shared>>
    tpu.enqueue_indirect_dma source(%arg11 : memref<80x128xf32, #tpu.memory_space<vmem>>) target(%dma_start3A_33 : memref<10000x128xf32, #tpu.memory_space<vmem_shared>>) offsets(%dma_start3A_30 : memref<80xi32, #tpu.memory_space<vmem>>) semaphore(%arg18 : memref<!tpu.dma_semaphore, #tpu.memory_space<semaphore_mem>>) {add = true}
    %dma_wait3A_34 = arith.constant 9680 : i32
    %dma_wait3A_35 = tpu.memref_slice %arg10[%dma_wait3A_34] : memref<10000xi32, #tpu.memory_space<vmem>> -> memref<80xi32, #tpu.memory_space<vmem>>
    %dma_wait3A_36 = arith.constant 0 : i32
    %dma_wait3A_37 = arith.constant 0 : i32
    %dma_wait3A_38 = tpu.memref_slice %arg14[%dma_wait3A_36, %dma_wait3A_37] : memref<10000x128xf32, #tpu.memory_space<vmem_shared>> -> memref<10000x128xf32, #tpu.memory_space<vmem_shared>>
    tpu.wait_indirect_dma semaphore(%arg19 : memref<!tpu.dma_semaphore, #tpu.memory_space<semaphore_mem>>) src(%arg11 : memref<80x128xf32, #tpu.memory_space<vmem>>) dst(%dma_wait3A_38 : memref<10000x128xf32, #tpu.memory_space<vmem_shared>>)
    %dma_start3A_39 = arith.constant 9920 : i32
    %dma_start3A_40 = tpu.memref_slice %arg10[%dma_start3A_39] : memref<10000xi32, #tpu.memory_space<vmem>> -> memref<80xi32, #tpu.memory_space<vmem>>
    %dma_start3A_41 = arith.constant 0 : i32
    %dma_start3A_42 = arith.constant 0 : i32
    %dma_start3A_43 = tpu.memref_slice %arg14[%dma_start3A_41, %dma_start3A_42] : memref<10000x128xf32, #tpu.memory_space<vmem_shared>> -> memref<10000x128xf32, #tpu.memory_space<vmem_shared>>
    tpu.enqueue_indirect_dma source(%arg11 : memref<80x128xf32, #tpu.memory_space<vmem>>) target(%dma_start3A_43 : memref<10000x128xf32, #tpu.memory_space<vmem_shared>>) offsets(%dma_start3A_40 : memref<80xi32, #tpu.memory_space<vmem>>) semaphore(%arg19 : memref<!tpu.dma_semaphore, #tpu.memory_space<semaphore_mem>>) {add = true}
    %dma_wait3A_44 = arith.constant 9760 : i32
    %dma_wait3A_45 = tpu.memref_slice %arg10[%dma_wait3A_44] : memref<10000xi32, #tpu.memory_space<vmem>> -> memref<80xi32, #tpu.memory_space<vmem>>
    %dma_wait3A_46 = arith.constant 0 : i32
    %dma_wait3A_47 = arith.constant 0 : i32
    %dma_wait3A_48 = tpu.memref_slice %arg14[%dma_wait3A_46, %dma_wait3A_47] : memref<10000x128xf32, #tpu.memory_space<vmem_shared>> -> memref<10000x128xf32, #tpu.memory_space<vmem_shared>>
    tpu.wait_indirect_dma semaphore(%arg20 : memref<!tpu.dma_semaphore, #tpu.memory_space<semaphore_mem>>) src(%arg11 : memref<80x128xf32, #tpu.memory_space<vmem>>) dst(%dma_wait3A_48 : memref<10000x128xf32, #tpu.memory_space<vmem_shared>>)
    %dma_wait3A_49 = arith.constant 9840 : i32
    %dma_wait3A_50 = tpu.memref_slice %arg10[%dma_wait3A_49] : memref<10000xi32, #tpu.memory_space<vmem>> -> memref<80xi32, #tpu.memory_space<vmem>>
    %dma_wait3A_51 = arith.constant 0 : i32
    %dma_wait3A_52 = arith.constant 0 : i32
    %dma_wait3A_53 = tpu.memref_slice %arg14[%dma_wait3A_51, %dma_wait3A_52] : memref<10000x128xf32, #tpu.memory_space<vmem_shared>> -> memref<10000x128xf32, #tpu.memory_space<vmem_shared>>
    tpu.wait_indirect_dma semaphore(%arg18 : memref<!tpu.dma_semaphore, #tpu.memory_space<semaphore_mem>>) src(%arg11 : memref<80x128xf32, #tpu.memory_space<vmem>>) dst(%dma_wait3A_53 : memref<10000x128xf32, #tpu.memory_space<vmem_shared>>)
    %dma_wait3A_54 = arith.constant 9920 : i32
    %dma_wait3A_55 = tpu.memref_slice %arg10[%dma_wait3A_54] : memref<10000xi32, #tpu.memory_space<vmem>> -> memref<80xi32, #tpu.memory_space<vmem>>
    %dma_wait3A_56 = arith.constant 0 : i32
    %dma_wait3A_57 = arith.constant 0 : i32
    %dma_wait3A_58 = tpu.memref_slice %arg14[%dma_wait3A_56, %dma_wait3A_57] : memref<10000x128xf32, #tpu.memory_space<vmem_shared>> -> memref<10000x128xf32, #tpu.memory_space<vmem_shared>>
    tpu.wait_indirect_dma semaphore(%arg19 : memref<!tpu.dma_semaphore, #tpu.memory_space<semaphore_mem>>) src(%arg11 : memref<80x128xf32, #tpu.memory_space<vmem>>) dst(%dma_wait3A_58 : memref<10000x128xf32, #tpu.memory_space<vmem_shared>>)
    %barrier3A_59 = arith.constant 0 : index
    tpu.barrier barrier_id(%barrier3A_59)
    %mul3A_60 = arith.constant 624 : i32
    %mul3A_61 = arith.muli %arg1, %mul3A_60 : i32
    %mul3A_62 = arith.constant 624 : i32
    %mul3A_63 = arith.muli %arg1, %mul3A_62 : i32
    "tpu.region"() ({
      %run_scoped3A = tpu.sem_alloc : memref<!tpu.dma_semaphore, #tpu.memory_space<semaphore_mem>>
      %dma_start3A_303 = arith.constant 0 : i32
      %dma_start3A_304 = tpu.memref_slice %arg8[%arg0, %mul3A_63, %dma_start3A_303] : memref<2x10000x128xf32, #tpu.memory_space<hbm>> -> memref<1x624x128xf32, #tpu.memory_space<hbm>>
      %dma_start3A_305 = tpu.memref_squeeze %dma_start3A_304 : memref<1x624x128xf32, #tpu.memory_space<hbm>> -> memref<624x128xf32, #tpu.memory_space<hbm>>
      %dma_start3A_306 = arith.constant 0 : i32
      %dma_start3A_307 = tpu.memref_slice %arg14[%mul3A_61, %dma_start3A_306] : memref<10000x128xf32, #tpu.memory_space<vmem_shared>> -> memref<624x128xf32, #tpu.memory_space<vmem_shared>>
      tpu.enqueue_dma source(%dma_start3A_307 : memref<624x128xf32, #tpu.memory_space<vmem_shared>>) target(%dma_start3A_305 : memref<624x128xf32, #tpu.memory_space<hbm>>) target_semaphore(%run_scoped3A : memref<!tpu.dma_semaphore, #tpu.memory_space<semaphore_mem>>)
      %dma_wait3A_308 = arith.constant 0 : i32
      %dma_wait3A_309 = tpu.memref_slice %arg8[%arg0, %mul3A_63, %dma_wait3A_308] : memref<2x10000x128xf32, #tpu.memory_space<hbm>> -> memref<1x624x128xf32, #tpu.memory_space<hbm>>
      %dma_wait3A_310 = tpu.memref_squeeze %dma_wait3A_309 : memref<1x624x128xf32, #tpu.memory_space<hbm>> -> memref<624x128xf32, #tpu.memory_space<hbm>>
      %dma_wait3A_311 = arith.constant 0 : i32
      %dma_wait3A_312 = tpu.memref_slice %arg14[%mul3A_61, %dma_wait3A_311] : memref<10000x128xf32, #tpu.memory_space<vmem_shared>> -> memref<624x128xf32, #tpu.memory_space<vmem_shared>>
      tpu.wait_dma2 semaphore(%run_scoped3A : memref<!tpu.dma_semaphore, #tpu.memory_space<semaphore_mem>>) src(%dma_wait3A_312 : memref<624x128xf32, #tpu.memory_space<vmem_shared>>) dst(%dma_wait3A_310 : memref<624x128xf32, #tpu.memory_space<hbm>>)
      tpu.yield
    }) : () -> ()
    %eq3A_64 = arith.constant 0 : i32
    %eq3A_65 = arith.cmpi eq, %arg1, %eq3A_64 : i32
    %convert_element_type3A_66 = arith.extui %eq3A_65 : i1 to i32
    %cond3A_67 = arith.constant 0 : i32
    %cond3A_68 = arith.cmpi ne, %convert_element_type3A_66, %cond3A_67 : i32
    scf.if %cond3A_68 {
      "tpu.region"() ({
        %run_scoped3A = tpu.sem_alloc : memref<!tpu.dma_semaphore, #tpu.memory_space<semaphore_mem>>
        %dma_start3A_303 = arith.constant 9984 : i32
        %dma_start3A_304 = arith.constant 0 : i32
        %dma_start3A_305 = tpu.memref_slice %arg8[%arg0, %dma_start3A_303, %dma_start3A_304] : memref<2x10000x128xf32, #tpu.memory_space<hbm>> -> memref<1x16x128xf32, #tpu.memory_space<hbm>>
        %dma_start3A_306 = tpu.memref_squeeze %dma_start3A_305 : memref<1x16x128xf32, #tpu.memory_space<hbm>> -> memref<16x128xf32, #tpu.memory_space<hbm>>
        %dma_start3A_307 = arith.constant 9984 : i32
        %dma_start3A_308 = arith.constant 0 : i32
        %dma_start3A_309 = tpu.memref_slice %arg14[%dma_start3A_307, %dma_start3A_308] : memref<10000x128xf32, #tpu.memory_space<vmem_shared>> -> memref<16x128xf32, #tpu.memory_space<vmem_shared>>
        tpu.enqueue_dma source(%dma_start3A_309 : memref<16x128xf32, #tpu.memory_space<vmem_shared>>) target(%dma_start3A_306 : memref<16x128xf32, #tpu.memory_space<hbm>>) target_semaphore(%run_scoped3A : memref<!tpu.dma_semaphore, #tpu.memory_space<semaphore_mem>>)
        %dma_wait3A_310 = arith.constant 9984 : i32
        %dma_wait3A_311 = arith.constant 0 : i32
        %dma_wait3A_312 = tpu.memref_slice %arg8[%arg0, %dma_wait3A_310, %dma_wait3A_311] : memref<2x10000x128xf32, #tpu.memory_space<hbm>> -> memref<1x16x128xf32, #tpu.memory_space<hbm>>
        %dma_wait3A_313 = tpu.memref_squeeze %dma_wait3A_312 : memref<1x16x128xf32, #tpu.memory_space<hbm>> -> memref<16x128xf32, #tpu.memory_space<hbm>>
        %dma_wait3A_314 = arith.constant 9984 : i32
        %dma_wait3A_315 = arith.constant 0 : i32
        %dma_wait3A_316 = tpu.memref_slice %arg14[%dma_wait3A_314, %dma_wait3A_315] : memref<10000x128xf32, #tpu.memory_space<vmem_shared>> -> memref<16x128xf32, #tpu.memory_space<vmem_shared>>
        tpu.wait_dma2 semaphore(%run_scoped3A : memref<!tpu.dma_semaphore, #tpu.memory_space<semaphore_mem>>) src(%dma_wait3A_316 : memref<16x128xf32, #tpu.memory_space<vmem_shared>>) dst(%dma_wait3A_313 : memref<16x128xf32, #tpu.memory_space<hbm>>)
        tpu.yield
      }) : () -> ()
    } else {
    }
    %barrier3A_69 = arith.constant 0 : index
    tpu.barrier barrier_id(%barrier3A_69)
    %mul3A_70 = arith.constant 624 : i32
    %mul3A_71 = arith.muli %arg1, %mul3A_70 : i32
    "tpu.region"() ({
      %run_scoped3A = tpu.sem_alloc : memref<!tpu.dma_semaphore, #tpu.memory_space<semaphore_mem>>
      %dma_start3A_303 = arith.constant 0 : i32
      %dma_start3A_304 = tpu.memref_slice %arg14[%mul3A_71, %dma_start3A_303] : memref<10000x128xf32, #tpu.memory_space<vmem_shared>> -> memref<624x128xf32, #tpu.memory_space<vmem_shared>>
      tpu.enqueue_dma source(%arg5 : memref<624x128xf32, #tpu.memory_space<hbm>>) target(%dma_start3A_304 : memref<624x128xf32, #tpu.memory_space<vmem_shared>>) target_semaphore(%run_scoped3A : memref<!tpu.dma_semaphore, #tpu.memory_space<semaphore_mem>>)
      %dma_wait3A_305 = arith.constant 0 : i32
      %dma_wait3A_306 = tpu.memref_slice %arg14[%mul3A_71, %dma_wait3A_305] : memref<10000x128xf32, #tpu.memory_space<vmem_shared>> -> memref<624x128xf32, #tpu.memory_space<vmem_shared>>
      tpu.wait_dma2 semaphore(%run_scoped3A : memref<!tpu.dma_semaphore, #tpu.memory_space<semaphore_mem>>) src(%arg5 : memref<624x128xf32, #tpu.memory_space<hbm>>) dst(%dma_wait3A_306 : memref<624x128xf32, #tpu.memory_space<vmem_shared>>)
      tpu.yield
    }) : () -> ()
    %eq3A_72 = arith.constant 0 : i32
    %eq3A_73 = arith.cmpi eq, %arg1, %eq3A_72 : i32
    %convert_element_type3A_74 = arith.extui %eq3A_73 : i1 to i32
    %cond3A_75 = arith.constant 0 : i32
    %cond3A_76 = arith.cmpi ne, %convert_element_type3A_74, %cond3A_75 : i32
    scf.if %cond3A_76 {
      "tpu.region"() ({
        %run_scoped3A = tpu.sem_alloc : memref<!tpu.dma_semaphore, #tpu.memory_space<semaphore_mem>>
        %dma_start3A_303 = arith.constant 9984 : i32
        %dma_start3A_304 = arith.constant 0 : i32
        %dma_start3A_305 = tpu.memref_slice %arg14[%dma_start3A_303, %dma_start3A_304] : memref<10000x128xf32, #tpu.memory_space<vmem_shared>> -> memref<16x128xf32, #tpu.memory_space<vmem_shared>>
        %dma_start3A_306 = arith.constant 0 : i32
        %dma_start3A_307 = arith.constant 0 : i32
        %dma_start3A_308 = tpu.memref_slice %arg5[%dma_start3A_306, %dma_start3A_307] : memref<624x128xf32, #tpu.memory_space<hbm>> -> memref<16x128xf32, #tpu.memory_space<hbm>>
        tpu.enqueue_dma source(%dma_start3A_308 : memref<16x128xf32, #tpu.memory_space<hbm>>) target(%dma_start3A_305 : memref<16x128xf32, #tpu.memory_space<vmem_shared>>) target_semaphore(%run_scoped3A : memref<!tpu.dma_semaphore, #tpu.memory_space<semaphore_mem>>)
        %dma_wait3A_309 = arith.constant 9984 : i32
        %dma_wait3A_310 = arith.constant 0 : i32
        %dma_wait3A_311 = tpu.memref_slice %arg14[%dma_wait3A_309, %dma_wait3A_310] : memref<10000x128xf32, #tpu.memory_space<vmem_shared>> -> memref<16x128xf32, #tpu.memory_space<vmem_shared>>
        %dma_wait3A_312 = arith.constant 0 : i32
        %dma_wait3A_313 = arith.constant 0 : i32
        %dma_wait3A_314 = tpu.memref_slice %arg5[%dma_wait3A_312, %dma_wait3A_313] : memref<624x128xf32, #tpu.memory_space<hbm>> -> memref<16x128xf32, #tpu.memory_space<hbm>>
        tpu.wait_dma2 semaphore(%run_scoped3A : memref<!tpu.dma_semaphore, #tpu.memory_space<semaphore_mem>>) src(%dma_wait3A_314 : memref<16x128xf32, #tpu.memory_space<hbm>>) dst(%dma_wait3A_311 : memref<16x128xf32, #tpu.memory_space<vmem_shared>>)
        tpu.yield
      }) : () -> ()
    } else {
    }
    %barrier3A_77 = arith.constant 0 : index
    tpu.barrier barrier_id(%barrier3A_77)
    %dma_start3A_78 = arith.constant 0 : i32
    %dma_start3A_79 = arith.constant 0 : i32
    %dma_start3A_80 = tpu.memref_slice %arg11[%dma_start3A_78, %dma_start3A_79] : memref<80x128xf32, #tpu.memory_space<vmem>> -> memref<40x128xf32, #tpu.memory_space<vmem>>
    %dma_start3A_81 = arith.constant 0 : i32
    %dma_start3A_82 = tpu.memref_slice %arg9[%dma_start3A_81] : memref<10000xi32, #tpu.memory_space<vmem>> -> memref<40xi32, #tpu.memory_space<vmem>>
    %dma_start3A_83 = arith.constant 0 : i32
    %dma_start3A_84 = arith.constant 0 : i32
    %dma_start3A_85 = tpu.memref_slice %arg2[%dma_start3A_83, %dma_start3A_84] : memref<10000x128xf32, #tpu.memory_space<hbm>> -> memref<10000x128xf32, #tpu.memory_space<hbm>>
    tpu.enqueue_indirect_dma source(%dma_start3A_85 : memref<10000x128xf32, #tpu.memory_space<hbm>>) target(%dma_start3A_80 : memref<40x128xf32, #tpu.memory_space<vmem>>) offsets(%dma_start3A_82 : memref<40xi32, #tpu.memory_space<vmem>>) semaphore(%arg15 : memref<!tpu.dma_semaphore, #tpu.memory_space<semaphore_mem>>)
    %dma_start3A_86 = arith.constant 40 : i32
    %dma_start3A_87 = arith.constant 0 : i32
    %dma_start3A_88 = tpu.memref_slice %arg11[%dma_start3A_86, %dma_start3A_87] : memref<80x128xf32, #tpu.memory_space<vmem>> -> memref<40x128xf32, #tpu.memory_space<vmem>>
    %dma_start3A_89 = arith.constant 40 : i32
    %dma_start3A_90 = tpu.memref_slice %arg9[%dma_start3A_89] : memref<10000xi32, #tpu.memory_space<vmem>> -> memref<40xi32, #tpu.memory_space<vmem>>
    %dma_start3A_91 = arith.constant 0 : i32
    %dma_start3A_92 = arith.constant 0 : i32
    %dma_start3A_93 = tpu.memref_slice %arg2[%dma_start3A_91, %dma_start3A_92] : memref<10000x128xf32, #tpu.memory_space<hbm>> -> memref<10000x128xf32, #tpu.memory_space<hbm>>
    tpu.enqueue_indirect_dma source(%dma_start3A_93 : memref<10000x128xf32, #tpu.memory_space<hbm>>) target(%dma_start3A_88 : memref<40x128xf32, #tpu.memory_space<vmem>>) offsets(%dma_start3A_90 : memref<40xi32, #tpu.memory_space<vmem>>) semaphore(%arg15 : memref<!tpu.dma_semaphore, #tpu.memory_space<semaphore_mem>>)
    %dma_start3A_94 = arith.constant 0 : i32
    %dma_start3A_95 = arith.constant 0 : i32
    %dma_start3A_96 = tpu.memref_slice %arg12[%dma_start3A_94, %dma_start3A_95] : memref<80x128xf32, #tpu.memory_space<vmem>> -> memref<40x128xf32, #tpu.memory_space<vmem>>
    %dma_start3A_97 = arith.constant 80 : i32
    %dma_start3A_98 = tpu.memref_slice %arg9[%dma_start3A_97] : memref<10000xi32, #tpu.memory_space<vmem>> -> memref<40xi32, #tpu.memory_space<vmem>>
    %dma_start3A_99 = arith.constant 0 : i32
    %dma_start3A_100 = arith.constant 0 : i32
    %dma_start3A_101 = tpu.memref_slice %arg2[%dma_start3A_99, %dma_start3A_100] : memref<10000x128xf32, #tpu.memory_space<hbm>> -> memref<10000x128xf32, #tpu.memory_space<hbm>>
    tpu.enqueue_indirect_dma source(%dma_start3A_101 : memref<10000x128xf32, #tpu.memory_space<hbm>>) target(%dma_start3A_96 : memref<40x128xf32, #tpu.memory_space<vmem>>) offsets(%dma_start3A_98 : memref<40xi32, #tpu.memory_space<vmem>>) semaphore(%arg16 : memref<!tpu.dma_semaphore, #tpu.memory_space<semaphore_mem>>)
    %dma_start3A_102 = arith.constant 40 : i32
    %dma_start3A_103 = arith.constant 0 : i32
    %dma_start3A_104 = tpu.memref_slice %arg12[%dma_start3A_102, %dma_start3A_103] : memref<80x128xf32, #tpu.memory_space<vmem>> -> memref<40x128xf32, #tpu.memory_space<vmem>>
    %dma_start3A_105 = arith.constant 120 : i32
    %dma_start3A_106 = tpu.memref_slice %arg9[%dma_start3A_105] : memref<10000xi32, #tpu.memory_space<vmem>> -> memref<40xi32, #tpu.memory_space<vmem>>
    %dma_start3A_107 = arith.constant 0 : i32
    %dma_start3A_108 = arith.constant 0 : i32
    %dma_start3A_109 = tpu.memref_slice %arg2[%dma_start3A_107, %dma_start3A_108] : memref<10000x128xf32, #tpu.memory_space<hbm>> -> memref<10000x128xf32, #tpu.memory_space<hbm>>
    tpu.enqueue_indirect_dma source(%dma_start3A_109 : memref<10000x128xf32, #tpu.memory_space<hbm>>) target(%dma_start3A_104 : memref<40x128xf32, #tpu.memory_space<vmem>>) offsets(%dma_start3A_106 : memref<40xi32, #tpu.memory_space<vmem>>) semaphore(%arg16 : memref<!tpu.dma_semaphore, #tpu.memory_space<semaphore_mem>>)
    %dma_wait3A_110 = arith.constant 0 : i32
    %dma_wait3A_111 = arith.constant 0 : i32
    %dma_wait3A_112 = tpu.memref_slice %arg11[%dma_wait3A_110, %dma_wait3A_111] : memref<80x128xf32, #tpu.memory_space<vmem>> -> memref<40x128xf32, #tpu.memory_space<vmem>>
    %dma_wait3A_113 = arith.constant 0 : i32
    %dma_wait3A_114 = tpu.memref_slice %arg9[%dma_wait3A_113] : memref<10000xi32, #tpu.memory_space<vmem>> -> memref<40xi32, #tpu.memory_space<vmem>>
    %dma_wait3A_115 = arith.constant 0 : i32
    %dma_wait3A_116 = arith.constant 0 : i32
    %dma_wait3A_117 = tpu.memref_slice %arg2[%dma_wait3A_115, %dma_wait3A_116] : memref<10000x128xf32, #tpu.memory_space<hbm>> -> memref<10000x128xf32, #tpu.memory_space<hbm>>
    tpu.wait_indirect_dma semaphore(%arg15 : memref<!tpu.dma_semaphore, #tpu.memory_space<semaphore_mem>>) src(%dma_wait3A_117 : memref<10000x128xf32, #tpu.memory_space<hbm>>) dst(%dma_wait3A_112 : memref<40x128xf32, #tpu.memory_space<vmem>>)
    %dma_wait3A_118 = arith.constant 40 : i32
    %dma_wait3A_119 = arith.constant 0 : i32
    %dma_wait3A_120 = tpu.memref_slice %arg11[%dma_wait3A_118, %dma_wait3A_119] : memref<80x128xf32, #tpu.memory_space<vmem>> -> memref<40x128xf32, #tpu.memory_space<vmem>>
    %dma_wait3A_121 = arith.constant 40 : i32
    %dma_wait3A_122 = tpu.memref_slice %arg9[%dma_wait3A_121] : memref<10000xi32, #tpu.memory_space<vmem>> -> memref<40xi32, #tpu.memory_space<vmem>>
    %dma_wait3A_123 = arith.constant 0 : i32
    %dma_wait3A_124 = arith.constant 0 : i32
    %dma_wait3A_125 = tpu.memref_slice %arg2[%dma_wait3A_123, %dma_wait3A_124] : memref<10000x128xf32, #tpu.memory_space<hbm>> -> memref<10000x128xf32, #tpu.memory_space<hbm>>
    tpu.wait_indirect_dma semaphore(%arg15 : memref<!tpu.dma_semaphore, #tpu.memory_space<semaphore_mem>>) src(%dma_wait3A_125 : memref<10000x128xf32, #tpu.memory_space<hbm>>) dst(%dma_wait3A_120 : memref<40x128xf32, #tpu.memory_space<vmem>>)
    %dma_start3A_126 = arith.constant 0 : i32
    %dma_start3A_127 = tpu.memref_slice %arg10[%dma_start3A_126] : memref<10000xi32, #tpu.memory_space<vmem>> -> memref<80xi32, #tpu.memory_space<vmem>>
    %dma_start3A_128 = arith.constant 0 : i32
    %dma_start3A_129 = arith.constant 0 : i32
    %dma_start3A_130 = tpu.memref_slice %arg14[%dma_start3A_128, %dma_start3A_129] : memref<10000x128xf32, #tpu.memory_space<vmem_shared>> -> memref<10000x128xf32, #tpu.memory_space<vmem_shared>>
    tpu.enqueue_indirect_dma source(%arg11 : memref<80x128xf32, #tpu.memory_space<vmem>>) target(%dma_start3A_130 : memref<10000x128xf32, #tpu.memory_space<vmem_shared>>) offsets(%dma_start3A_127 : memref<80xi32, #tpu.memory_space<vmem>>) semaphore(%arg18 : memref<!tpu.dma_semaphore, #tpu.memory_space<semaphore_mem>>) {add = true}
    %dma_start3A_131 = arith.constant 0 : i32
    %dma_start3A_132 = arith.constant 0 : i32
    %dma_start3A_133 = tpu.memref_slice %arg13[%dma_start3A_131, %dma_start3A_132] : memref<80x128xf32, #tpu.memory_space<vmem>> -> memref<40x128xf32, #tpu.memory_space<vmem>>
    %dma_start3A_134 = arith.constant 160 : i32
    %dma_start3A_135 = tpu.memref_slice %arg9[%dma_start3A_134] : memref<10000xi32, #tpu.memory_space<vmem>> -> memref<40xi32, #tpu.memory_space<vmem>>
    %dma_start3A_136 = arith.constant 0 : i32
    %dma_start3A_137 = arith.constant 0 : i32
    %dma_start3A_138 = tpu.memref_slice %arg2[%dma_start3A_136, %dma_start3A_137] : memref<10000x128xf32, #tpu.memory_space<hbm>> -> memref<10000x128xf32, #tpu.memory_space<hbm>>
    tpu.enqueue_indirect_dma source(%dma_start3A_138 : memref<10000x128xf32, #tpu.memory_space<hbm>>) target(%dma_start3A_133 : memref<40x128xf32, #tpu.memory_space<vmem>>) offsets(%dma_start3A_135 : memref<40xi32, #tpu.memory_space<vmem>>) semaphore(%arg17 : memref<!tpu.dma_semaphore, #tpu.memory_space<semaphore_mem>>)
    %dma_start3A_139 = arith.constant 40 : i32
    %dma_start3A_140 = arith.constant 0 : i32
    %dma_start3A_141 = tpu.memref_slice %arg13[%dma_start3A_139, %dma_start3A_140] : memref<80x128xf32, #tpu.memory_space<vmem>> -> memref<40x128xf32, #tpu.memory_space<vmem>>
    %dma_start3A_142 = arith.constant 200 : i32
    %dma_start3A_143 = tpu.memref_slice %arg9[%dma_start3A_142] : memref<10000xi32, #tpu.memory_space<vmem>> -> memref<40xi32, #tpu.memory_space<vmem>>
    %dma_start3A_144 = arith.constant 0 : i32
    %dma_start3A_145 = arith.constant 0 : i32
    %dma_start3A_146 = tpu.memref_slice %arg2[%dma_start3A_144, %dma_start3A_145] : memref<10000x128xf32, #tpu.memory_space<hbm>> -> memref<10000x128xf32, #tpu.memory_space<hbm>>
    tpu.enqueue_indirect_dma source(%dma_start3A_146 : memref<10000x128xf32, #tpu.memory_space<hbm>>) target(%dma_start3A_141 : memref<40x128xf32, #tpu.memory_space<vmem>>) offsets(%dma_start3A_143 : memref<40xi32, #tpu.memory_space<vmem>>) semaphore(%arg17 : memref<!tpu.dma_semaphore, #tpu.memory_space<semaphore_mem>>)
    %dma_wait3A_147 = arith.constant 0 : i32
    %dma_wait3A_148 = arith.constant 0 : i32
    %dma_wait3A_149 = tpu.memref_slice %arg12[%dma_wait3A_147, %dma_wait3A_148] : memref<80x128xf32, #tpu.memory_space<vmem>> -> memref<40x128xf32, #tpu.memory_space<vmem>>
    %dma_wait3A_150 = arith.constant 80 : i32
    %dma_wait3A_151 = tpu.memref_slice %arg9[%dma_wait3A_150] : memref<10000xi32, #tpu.memory_space<vmem>> -> memref<40xi32, #tpu.memory_space<vmem>>
    %dma_wait3A_152 = arith.constant 0 : i32
    %dma_wait3A_153 = arith.constant 0 : i32
    %dma_wait3A_154 = tpu.memref_slice %arg2[%dma_wait3A_152, %dma_wait3A_153] : memref<10000x128xf32, #tpu.memory_space<hbm>> -> memref<10000x128xf32, #tpu.memory_space<hbm>>
    tpu.wait_indirect_dma semaphore(%arg16 : memref<!tpu.dma_semaphore, #tpu.memory_space<semaphore_mem>>) src(%dma_wait3A_154 : memref<10000x128xf32, #tpu.memory_space<hbm>>) dst(%dma_wait3A_149 : memref<40x128xf32, #tpu.memory_space<vmem>>)
    %dma_wait3A_155 = arith.constant 40 : i32
    %dma_wait3A_156 = arith.constant 0 : i32
    %dma_wait3A_157 = tpu.memref_slice %arg12[%dma_wait3A_155, %dma_wait3A_156] : memref<80x128xf32, #tpu.memory_space<vmem>> -> memref<40x128xf32, #tpu.memory_space<vmem>>
    %dma_wait3A_158 = arith.constant 120 : i32
    %dma_wait3A_159 = tpu.memref_slice %arg9[%dma_wait3A_158] : memref<10000xi32, #tpu.memory_space<vmem>> -> memref<40xi32, #tpu.memory_space<vmem>>
    %dma_wait3A_160 = arith.constant 0 : i32
    %dma_wait3A_161 = arith.constant 0 : i32
    %dma_wait3A_162 = tpu.memref_slice %arg2[%dma_wait3A_160, %dma_wait3A_161] : memref<10000x128xf32, #tpu.memory_space<hbm>> -> memref<10000x128xf32, #tpu.memory_space<hbm>>
    tpu.wait_indirect_dma semaphore(%arg16 : memref<!tpu.dma_semaphore, #tpu.memory_space<semaphore_mem>>) src(%dma_wait3A_162 : memref<10000x128xf32, #tpu.memory_space<hbm>>) dst(%dma_wait3A_157 : memref<40x128xf32, #tpu.memory_space<vmem>>)
    %dma_start3A_163 = arith.constant 80 : i32
    %dma_start3A_164 = tpu.memref_slice %arg10[%dma_start3A_163] : memref<10000xi32, #tpu.memory_space<vmem>> -> memref<80xi32, #tpu.memory_space<vmem>>
    %dma_start3A_165 = arith.constant 0 : i32
    %dma_start3A_166 = arith.constant 0 : i32
    %dma_start3A_167 = tpu.memref_slice %arg14[%dma_start3A_165, %dma_start3A_166] : memref<10000x128xf32, #tpu.memory_space<vmem_shared>> -> memref<10000x128xf32, #tpu.memory_space<vmem_shared>>
    tpu.enqueue_indirect_dma source(%arg12 : memref<80x128xf32, #tpu.memory_space<vmem>>) target(%dma_start3A_167 : memref<10000x128xf32, #tpu.memory_space<vmem_shared>>) offsets(%dma_start3A_164 : memref<80xi32, #tpu.memory_space<vmem>>) semaphore(%arg19 : memref<!tpu.dma_semaphore, #tpu.memory_space<semaphore_mem>>) {add = true}
    %dma_wait3A_168 = arith.constant 0 : i32
    %dma_wait3A_169 = tpu.memref_slice %arg10[%dma_wait3A_168] : memref<10000xi32, #tpu.memory_space<vmem>> -> memref<80xi32, #tpu.memory_space<vmem>>
    %dma_wait3A_170 = arith.constant 0 : i32
    %dma_wait3A_171 = arith.constant 0 : i32
    %dma_wait3A_172 = tpu.memref_slice %arg14[%dma_wait3A_170, %dma_wait3A_171] : memref<10000x128xf32, #tpu.memory_space<vmem_shared>> -> memref<10000x128xf32, #tpu.memory_space<vmem_shared>>
    tpu.wait_indirect_dma semaphore(%arg18 : memref<!tpu.dma_semaphore, #tpu.memory_space<semaphore_mem>>) src(%arg11 : memref<80x128xf32, #tpu.memory_space<vmem>>) dst(%dma_wait3A_172 : memref<10000x128xf32, #tpu.memory_space<vmem_shared>>)
    %dma_start3A_173 = arith.constant 0 : i32
    %dma_start3A_174 = arith.constant 0 : i32
    %dma_start3A_175 = tpu.memref_slice %arg11[%dma_start3A_173, %dma_start3A_174] : memref<80x128xf32, #tpu.memory_space<vmem>> -> memref<40x128xf32, #tpu.memory_space<vmem>>
    %dma_start3A_176 = arith.constant 240 : i32
    %dma_start3A_177 = tpu.memref_slice %arg9[%dma_start3A_176] : memref<10000xi32, #tpu.memory_space<vmem>> -> memref<40xi32, #tpu.memory_space<vmem>>
    %dma_start3A_178 = arith.constant 0 : i32
    %dma_start3A_179 = arith.constant 0 : i32
    %dma_start3A_180 = tpu.memref_slice %arg2[%dma_start3A_178, %dma_start3A_179] : memref<10000x128xf32, #tpu.memory_space<hbm>> -> memref<10000x128xf32, #tpu.memory_space<hbm>>
    tpu.enqueue_indirect_dma source(%dma_start3A_180 : memref<10000x128xf32, #tpu.memory_space<hbm>>) target(%dma_start3A_175 : memref<40x128xf32, #tpu.memory_space<vmem>>) offsets(%dma_start3A_177 : memref<40xi32, #tpu.memory_space<vmem>>) semaphore(%arg15 : memref<!tpu.dma_semaphore, #tpu.memory_space<semaphore_mem>>)
    %dma_start3A_181 = arith.constant 40 : i32
    %dma_start3A_182 = arith.constant 0 : i32
    %dma_start3A_183 = tpu.memref_slice %arg11[%dma_start3A_181, %dma_start3A_182] : memref<80x128xf32, #tpu.memory_space<vmem>> -> memref<40x128xf32, #tpu.memory_space<vmem>>
    %dma_start3A_184 = arith.constant 280 : i32
    %dma_start3A_185 = tpu.memref_slice %arg9[%dma_start3A_184] : memref<10000xi32, #tpu.memory_space<vmem>> -> memref<40xi32, #tpu.memory_space<vmem>>
    %dma_start3A_186 = arith.constant 0 : i32
    %dma_start3A_187 = arith.constant 0 : i32
    %dma_start3A_188 = tpu.memref_slice %arg2[%dma_start3A_186, %dma_start3A_187] : memref<10000x128xf32, #tpu.memory_space<hbm>> -> memref<10000x128xf32, #tpu.memory_space<hbm>>
    tpu.enqueue_indirect_dma source(%dma_start3A_188 : memref<10000x128xf32, #tpu.memory_space<hbm>>) target(%dma_start3A_183 : memref<40x128xf32, #tpu.memory_space<vmem>>) offsets(%dma_start3A_185 : memref<40xi32, #tpu.memory_space<vmem>>) semaphore(%arg15 : memref<!tpu.dma_semaphore, #tpu.memory_space<semaphore_mem>>)
    %dma_wait3A_189 = arith.constant 0 : i32
    %dma_wait3A_190 = arith.constant 0 : i32
    %dma_wait3A_191 = tpu.memref_slice %arg13[%dma_wait3A_189, %dma_wait3A_190] : memref<80x128xf32, #tpu.memory_space<vmem>> -> memref<40x128xf32, #tpu.memory_space<vmem>>
    %dma_wait3A_192 = arith.constant 160 : i32
    %dma_wait3A_193 = tpu.memref_slice %arg9[%dma_wait3A_192] : memref<10000xi32, #tpu.memory_space<vmem>> -> memref<40xi32, #tpu.memory_space<vmem>>
    %dma_wait3A_194 = arith.constant 0 : i32
    %dma_wait3A_195 = arith.constant 0 : i32
    %dma_wait3A_196 = tpu.memref_slice %arg2[%dma_wait3A_194, %dma_wait3A_195] : memref<10000x128xf32, #tpu.memory_space<hbm>> -> memref<10000x128xf32, #tpu.memory_space<hbm>>
    tpu.wait_indirect_dma semaphore(%arg17 : memref<!tpu.dma_semaphore, #tpu.memory_space<semaphore_mem>>) src(%dma_wait3A_196 : memref<10000x128xf32, #tpu.memory_space<hbm>>) dst(%dma_wait3A_191 : memref<40x128xf32, #tpu.memory_space<vmem>>)
    %dma_wait3A_197 = arith.constant 40 : i32
    %dma_wait3A_198 = arith.constant 0 : i32
    %dma_wait3A_199 = tpu.memref_slice %arg13[%dma_wait3A_197, %dma_wait3A_198] : memref<80x128xf32, #tpu.memory_space<vmem>> -> memref<40x128xf32, #tpu.memory_space<vmem>>
    %dma_wait3A_200 = arith.constant 200 : i32
    %dma_wait3A_201 = tpu.memref_slice %arg9[%dma_wait3A_200] : memref<10000xi32, #tpu.memory_space<vmem>> -> memref<40xi32, #tpu.memory_space<vmem>>
    %dma_wait3A_202 = arith.constant 0 : i32
    %dma_wait3A_203 = arith.constant 0 : i32
    %dma_wait3A_204 = tpu.memref_slice %arg2[%dma_wait3A_202, %dma_wait3A_203] : memref<10000x128xf32, #tpu.memory_space<hbm>> -> memref<10000x128xf32, #tpu.memory_space<hbm>>
    tpu.wait_indirect_dma semaphore(%arg17 : memref<!tpu.dma_semaphore, #tpu.memory_space<semaphore_mem>>) src(%dma_wait3A_204 : memref<10000x128xf32, #tpu.memory_space<hbm>>) dst(%dma_wait3A_199 : memref<40x128xf32, #tpu.memory_space<vmem>>)
    %dma_start3A_205 = arith.constant 160 : i32
    %dma_start3A_206 = tpu.memref_slice %arg10[%dma_start3A_205] : memref<10000xi32, #tpu.memory_space<vmem>> -> memref<80xi32, #tpu.memory_space<vmem>>
    %dma_start3A_207 = arith.constant 0 : i32
    %dma_start3A_208 = arith.constant 0 : i32
    %dma_start3A_209 = tpu.memref_slice %arg14[%dma_start3A_207, %dma_start3A_208] : memref<10000x128xf32, #tpu.memory_space<vmem_shared>> -> memref<10000x128xf32, #tpu.memory_space<vmem_shared>>
    tpu.enqueue_indirect_dma source(%arg13 : memref<80x128xf32, #tpu.memory_space<vmem>>) target(%dma_start3A_209 : memref<10000x128xf32, #tpu.memory_space<vmem_shared>>) offsets(%dma_start3A_206 : memref<80xi32, #tpu.memory_space<vmem>>) semaphore(%arg20 : memref<!tpu.dma_semaphore, #tpu.memory_space<semaphore_mem>>) {add = true}
    %scan3A_210 = arith.constant 0 : i32
    %scan3A_211 = arith.constant 40 : i32
    %scan3A_212 = arith.addi %scan3A_210, %scan3A_211 : i32
    %scan3A_213 = arith.constant 1 : i32
    scf.for %scan3A_303 = %scan3A_210 to %scan3A_212 step %scan3A_213  : i32 {
      %mul3A_304 = arith.constant 3 : i32
      %mul3A_305 = arith.muli %scan3A_303, %mul3A_304 : i32
      %add3A_306 = arith.constant 3 : i32
      %add3A_307 = arith.addi %add3A_306, %mul3A_305 : i32
      %add3A_308 = arith.constant 0 : i32
      %add3A_309 = arith.addi %add3A_307, %add3A_308 : i32
      %add3A_310 = arith.constant 1 : i32
      %add3A_311 = arith.addi %add3A_309, %add3A_310 : i32
      %sub3A = arith.constant 3 : i32
      %sub3A_312 = arith.subi %add3A_311, %sub3A : i32
      %mul3A_313 = arith.constant 80 : i32
      %mul3A_314 = arith.muli %sub3A_312, %mul3A_313 : i32
      %dma_wait3A_315 = tpu.memref_slice %arg10[%mul3A_314] : memref<10000xi32, #tpu.memory_space<vmem>> -> memref<80xi32, #tpu.memory_space<vmem>>
      %dma_wait3A_316 = arith.constant 0 : i32
      %dma_wait3A_317 = arith.constant 0 : i32
      %dma_wait3A_318 = tpu.memref_slice %arg14[%dma_wait3A_316, %dma_wait3A_317] : memref<10000x128xf32, #tpu.memory_space<vmem_shared>> -> memref<10000x128xf32, #tpu.memory_space<vmem_shared>>
      tpu.wait_indirect_dma semaphore(%arg19 : memref<!tpu.dma_semaphore, #tpu.memory_space<semaphore_mem>>) src(%arg12 : memref<80x128xf32, #tpu.memory_space<vmem>>) dst(%dma_wait3A_318 : memref<10000x128xf32, #tpu.memory_space<vmem_shared>>)
      %add3A_319 = arith.constant 1 : i32
      %add3A_320 = arith.addi %add3A_309, %add3A_319 : i32
      %mul3A_321 = arith.constant 80 : i32
      %mul3A_322 = arith.muli %add3A_320, %mul3A_321 : i32
      %add3A_323 = arith.constant 0 : i32
      %add3A_324 = arith.addi %mul3A_322, %add3A_323 : i32
      %mul3A_325 = arith.constant 80 : i32
      %mul3A_326 = arith.muli %add3A_320, %mul3A_325 : i32
      %add3A_327 = arith.constant 40 : i32
      %add3A_328 = arith.addi %mul3A_326, %add3A_327 : i32
      %dma_start3A_329 = arith.constant 0 : i32
      %dma_start3A_330 = arith.constant 0 : i32
      %dma_start3A_331 = tpu.memref_slice %arg12[%dma_start3A_329, %dma_start3A_330] : memref<80x128xf32, #tpu.memory_space<vmem>> -> memref<40x128xf32, #tpu.memory_space<vmem>>
      %dma_start3A_332 = tpu.memref_slice %arg9[%add3A_324] : memref<10000xi32, #tpu.memory_space<vmem>> -> memref<40xi32, #tpu.memory_space<vmem>>
      %dma_start3A_333 = arith.constant 0 : i32
      %dma_start3A_334 = arith.constant 0 : i32
      %dma_start3A_335 = tpu.memref_slice %arg2[%dma_start3A_333, %dma_start3A_334] : memref<10000x128xf32, #tpu.memory_space<hbm>> -> memref<10000x128xf32, #tpu.memory_space<hbm>>
      tpu.enqueue_indirect_dma source(%dma_start3A_335 : memref<10000x128xf32, #tpu.memory_space<hbm>>) target(%dma_start3A_331 : memref<40x128xf32, #tpu.memory_space<vmem>>) offsets(%dma_start3A_332 : memref<40xi32, #tpu.memory_space<vmem>>) semaphore(%arg16 : memref<!tpu.dma_semaphore, #tpu.memory_space<semaphore_mem>>)
      %dma_start3A_336 = arith.constant 40 : i32
      %dma_start3A_337 = arith.constant 0 : i32
      %dma_start3A_338 = tpu.memref_slice %arg12[%dma_start3A_336, %dma_start3A_337] : memref<80x128xf32, #tpu.memory_space<vmem>> -> memref<40x128xf32, #tpu.memory_space<vmem>>
      %dma_start3A_339 = tpu.memref_slice %arg9[%add3A_328] : memref<10000xi32, #tpu.memory_space<vmem>> -> memref<40xi32, #tpu.memory_space<vmem>>
      %dma_start3A_340 = arith.constant 0 : i32
      %dma_start3A_341 = arith.constant 0 : i32
      %dma_start3A_342 = tpu.memref_slice %arg2[%dma_start3A_340, %dma_start3A_341] : memref<10000x128xf32, #tpu.memory_space<hbm>> -> memref<10000x128xf32, #tpu.memory_space<hbm>>
      tpu.enqueue_indirect_dma source(%dma_start3A_342 : memref<10000x128xf32, #tpu.memory_space<hbm>>) target(%dma_start3A_338 : memref<40x128xf32, #tpu.memory_space<vmem>>) offsets(%dma_start3A_339 : memref<40xi32, #tpu.memory_space<vmem>>) semaphore(%arg16 : memref<!tpu.dma_semaphore, #tpu.memory_space<semaphore_mem>>)
      %mul3A_343 = arith.constant 80 : i32
      %mul3A_344 = arith.muli %add3A_309, %mul3A_343 : i32
      %add3A_345 = arith.constant 0 : i32
      %add3A_346 = arith.addi %mul3A_344, %add3A_345 : i32
      %mul3A_347 = arith.constant 80 : i32
      %mul3A_348 = arith.muli %add3A_309, %mul3A_347 : i32
      %add3A_349 = arith.constant 40 : i32
      %add3A_350 = arith.addi %mul3A_348, %add3A_349 : i32
      %dma_wait3A_351 = arith.constant 0 : i32
      %dma_wait3A_352 = arith.constant 0 : i32
      %dma_wait3A_353 = tpu.memref_slice %arg11[%dma_wait3A_351, %dma_wait3A_352] : memref<80x128xf32, #tpu.memory_space<vmem>> -> memref<40x128xf32, #tpu.memory_space<vmem>>
      %dma_wait3A_354 = tpu.memref_slice %arg9[%add3A_346] : memref<10000xi32, #tpu.memory_space<vmem>> -> memref<40xi32, #tpu.memory_space<vmem>>
      %dma_wait3A_355 = arith.constant 0 : i32
      %dma_wait3A_356 = arith.constant 0 : i32
      %dma_wait3A_357 = tpu.memref_slice %arg2[%dma_wait3A_355, %dma_wait3A_356] : memref<10000x128xf32, #tpu.memory_space<hbm>> -> memref<10000x128xf32, #tpu.memory_space<hbm>>
      tpu.wait_indirect_dma semaphore(%arg15 : memref<!tpu.dma_semaphore, #tpu.memory_space<semaphore_mem>>) src(%dma_wait3A_357 : memref<10000x128xf32, #tpu.memory_space<hbm>>) dst(%dma_wait3A_353 : memref<40x128xf32, #tpu.memory_space<vmem>>)
      %dma_wait3A_358 = arith.constant 40 : i32
      %dma_wait3A_359 = arith.constant 0 : i32
      %dma_wait3A_360 = tpu.memref_slice %arg11[%dma_wait3A_358, %dma_wait3A_359] : memref<80x128xf32, #tpu.memory_space<vmem>> -> memref<40x128xf32, #tpu.memory_space<vmem>>
      %dma_wait3A_361 = tpu.memref_slice %arg9[%add3A_350] : memref<10000xi32, #tpu.memory_space<vmem>> -> memref<40xi32, #tpu.memory_space<vmem>>
      %dma_wait3A_362 = arith.constant 0 : i32
      %dma_wait3A_363 = arith.constant 0 : i32
      %dma_wait3A_364 = tpu.memref_slice %arg2[%dma_wait3A_362, %dma_wait3A_363] : memref<10000x128xf32, #tpu.memory_space<hbm>> -> memref<10000x128xf32, #tpu.memory_space<hbm>>
      tpu.wait_indirect_dma semaphore(%arg15 : memref<!tpu.dma_semaphore, #tpu.memory_space<semaphore_mem>>) src(%dma_wait3A_364 : memref<10000x128xf32, #tpu.memory_space<hbm>>) dst(%dma_wait3A_360 : memref<40x128xf32, #tpu.memory_space<vmem>>)
      %mul3A_365 = arith.constant 80 : i32
      %mul3A_366 = arith.muli %add3A_309, %mul3A_365 : i32
      %dma_start3A_367 = tpu.memref_slice %arg10[%mul3A_366] : memref<10000xi32, #tpu.memory_space<vmem>> -> memref<80xi32, #tpu.memory_space<vmem>>
      %dma_start3A_368 = arith.constant 0 : i32
      %dma_start3A_369 = arith.constant 0 : i32
      %dma_start3A_370 = tpu.memref_slice %arg14[%dma_start3A_368, %dma_start3A_369] : memref<10000x128xf32, #tpu.memory_space<vmem_shared>> -> memref<10000x128xf32, #tpu.memory_space<vmem_shared>>
      tpu.enqueue_indirect_dma source(%arg11 : memref<80x128xf32, #tpu.memory_space<vmem>>) target(%dma_start3A_370 : memref<10000x128xf32, #tpu.memory_space<vmem_shared>>) offsets(%dma_start3A_367 : memref<80xi32, #tpu.memory_space<vmem>>) semaphore(%arg18 : memref<!tpu.dma_semaphore, #tpu.memory_space<semaphore_mem>>) {add = true}
      %add3A_371 = arith.constant 1 : i32
      %add3A_372 = arith.addi %add3A_307, %add3A_371 : i32
      %add3A_373 = arith.constant 1 : i32
      %add3A_374 = arith.addi %add3A_372, %add3A_373 : i32
      %sub3A_375 = arith.constant 3 : i32
      %sub3A_376 = arith.subi %add3A_374, %sub3A_375 : i32
      %mul3A_377 = arith.constant 80 : i32
      %mul3A_378 = arith.muli %sub3A_376, %mul3A_377 : i32
      %dma_wait3A_379 = tpu.memref_slice %arg10[%mul3A_378] : memref<10000xi32, #tpu.memory_space<vmem>> -> memref<80xi32, #tpu.memory_space<vmem>>
      %dma_wait3A_380 = arith.constant 0 : i32
      %dma_wait3A_381 = arith.constant 0 : i32
      %dma_wait3A_382 = tpu.memref_slice %arg14[%dma_wait3A_380, %dma_wait3A_381] : memref<10000x128xf32, #tpu.memory_space<vmem_shared>> -> memref<10000x128xf32, #tpu.memory_space<vmem_shared>>
      tpu.wait_indirect_dma semaphore(%arg20 : memref<!tpu.dma_semaphore, #tpu.memory_space<semaphore_mem>>) src(%arg13 : memref<80x128xf32, #tpu.memory_space<vmem>>) dst(%dma_wait3A_382 : memref<10000x128xf32, #tpu.memory_space<vmem_shared>>)
      %add3A_383 = arith.constant 1 : i32
      %add3A_384 = arith.addi %add3A_372, %add3A_383 : i32
      %mul3A_385 = arith.constant 80 : i32
      %mul3A_386 = arith.muli %add3A_384, %mul3A_385 : i32
      %add3A_387 = arith.constant 0 : i32
      %add3A_388 = arith.addi %mul3A_386, %add3A_387 : i32
      %mul3A_389 = arith.constant 80 : i32
      %mul3A_390 = arith.muli %add3A_384, %mul3A_389 : i32
      %add3A_391 = arith.constant 40 : i32
      %add3A_392 = arith.addi %mul3A_390, %add3A_391 : i32
      %dma_start3A_393 = arith.constant 0 : i32
      %dma_start3A_394 = arith.constant 0 : i32
      %dma_start3A_395 = tpu.memref_slice %arg13[%dma_start3A_393, %dma_start3A_394] : memref<80x128xf32, #tpu.memory_space<vmem>> -> memref<40x128xf32, #tpu.memory_space<vmem>>
      %dma_start3A_396 = tpu.memref_slice %arg9[%add3A_388] : memref<10000xi32, #tpu.memory_space<vmem>> -> memref<40xi32, #tpu.memory_space<vmem>>
      %dma_start3A_397 = arith.constant 0 : i32
      %dma_start3A_398 = arith.constant 0 : i32
      %dma_start3A_399 = tpu.memref_slice %arg2[%dma_start3A_397, %dma_start3A_398] : memref<10000x128xf32, #tpu.memory_space<hbm>> -> memref<10000x128xf32, #tpu.memory_space<hbm>>
      tpu.enqueue_indirect_dma source(%dma_start3A_399 : memref<10000x128xf32, #tpu.memory_space<hbm>>) target(%dma_start3A_395 : memref<40x128xf32, #tpu.memory_space<vmem>>) offsets(%dma_start3A_396 : memref<40xi32, #tpu.memory_space<vmem>>) semaphore(%arg17 : memref<!tpu.dma_semaphore, #tpu.memory_space<semaphore_mem>>)
      %dma_start3A_400 = arith.constant 40 : i32
      %dma_start3A_401 = arith.constant 0 : i32
      %dma_start3A_402 = tpu.memref_slice %arg13[%dma_start3A_400, %dma_start3A_401] : memref<80x128xf32, #tpu.memory_space<vmem>> -> memref<40x128xf32, #tpu.memory_space<vmem>>
      %dma_start3A_403 = tpu.memref_slice %arg9[%add3A_392] : memref<10000xi32, #tpu.memory_space<vmem>> -> memref<40xi32, #tpu.memory_space<vmem>>
      %dma_start3A_404 = arith.constant 0 : i32
      %dma_start3A_405 = arith.constant 0 : i32
      %dma_start3A_406 = tpu.memref_slice %arg2[%dma_start3A_404, %dma_start3A_405] : memref<10000x128xf32, #tpu.memory_space<hbm>> -> memref<10000x128xf32, #tpu.memory_space<hbm>>
      tpu.enqueue_indirect_dma source(%dma_start3A_406 : memref<10000x128xf32, #tpu.memory_space<hbm>>) target(%dma_start3A_402 : memref<40x128xf32, #tpu.memory_space<vmem>>) offsets(%dma_start3A_403 : memref<40xi32, #tpu.memory_space<vmem>>) semaphore(%arg17 : memref<!tpu.dma_semaphore, #tpu.memory_space<semaphore_mem>>)
      %mul3A_407 = arith.constant 80 : i32
      %mul3A_408 = arith.muli %add3A_372, %mul3A_407 : i32
      %add3A_409 = arith.constant 0 : i32
      %add3A_410 = arith.addi %mul3A_408, %add3A_409 : i32
      %mul3A_411 = arith.constant 80 : i32
      %mul3A_412 = arith.muli %add3A_372, %mul3A_411 : i32
      %add3A_413 = arith.constant 40 : i32
      %add3A_414 = arith.addi %mul3A_412, %add3A_413 : i32
      %dma_wait3A_415 = arith.constant 0 : i32
      %dma_wait3A_416 = arith.constant 0 : i32
      %dma_wait3A_417 = tpu.memref_slice %arg12[%dma_wait3A_415, %dma_wait3A_416] : memref<80x128xf32, #tpu.memory_space<vmem>> -> memref<40x128xf32, #tpu.memory_space<vmem>>
      %dma_wait3A_418 = tpu.memref_slice %arg9[%add3A_410] : memref<10000xi32, #tpu.memory_space<vmem>> -> memref<40xi32, #tpu.memory_space<vmem>>
      %dma_wait3A_419 = arith.constant 0 : i32
      %dma_wait3A_420 = arith.constant 0 : i32
      %dma_wait3A_421 = tpu.memref_slice %arg2[%dma_wait3A_419, %dma_wait3A_420] : memref<10000x128xf32, #tpu.memory_space<hbm>> -> memref<10000x128xf32, #tpu.memory_space<hbm>>
      tpu.wait_indirect_dma semaphore(%arg16 : memref<!tpu.dma_semaphore, #tpu.memory_space<semaphore_mem>>) src(%dma_wait3A_421 : memref<10000x128xf32, #tpu.memory_space<hbm>>) dst(%dma_wait3A_417 : memref<40x128xf32, #tpu.memory_space<vmem>>)
      %dma_wait3A_422 = arith.constant 40 : i32
      %dma_wait3A_423 = arith.constant 0 : i32
      %dma_wait3A_424 = tpu.memref_slice %arg12[%dma_wait3A_422, %dma_wait3A_423] : memref<80x128xf32, #tpu.memory_space<vmem>> -> memref<40x128xf32, #tpu.memory_space<vmem>>
      %dma_wait3A_425 = tpu.memref_slice %arg9[%add3A_414] : memref<10000xi32, #tpu.memory_space<vmem>> -> memref<40xi32, #tpu.memory_space<vmem>>
      %dma_wait3A_426 = arith.constant 0 : i32
      %dma_wait3A_427 = arith.constant 0 : i32
      %dma_wait3A_428 = tpu.memref_slice %arg2[%dma_wait3A_426, %dma_wait3A_427] : memref<10000x128xf32, #tpu.memory_space<hbm>> -> memref<10000x128xf32, #tpu.memory_space<hbm>>
      tpu.wait_indirect_dma semaphore(%arg16 : memref<!tpu.dma_semaphore, #tpu.memory_space<semaphore_mem>>) src(%dma_wait3A_428 : memref<10000x128xf32, #tpu.memory_space<hbm>>) dst(%dma_wait3A_424 : memref<40x128xf32, #tpu.memory_space<vmem>>)
      %mul3A_429 = arith.constant 80 : i32
      %mul3A_430 = arith.muli %add3A_372, %mul3A_429 : i32
      %dma_start3A_431 = tpu.memref_slice %arg10[%mul3A_430] : memref<10000xi32, #tpu.memory_space<vmem>> -> memref<80xi32, #tpu.memory_space<vmem>>
      %dma_start3A_432 = arith.constant 0 : i32
      %dma_start3A_433 = arith.constant 0 : i32
      %dma_start3A_434 = tpu.memref_slice %arg14[%dma_start3A_432, %dma_start3A_433] : memref<10000x128xf32, #tpu.memory_space<vmem_shared>> -> memref<10000x128xf32, #tpu.memory_space<vmem_shared>>
      tpu.enqueue_indirect_dma source(%arg12 : memref<80x128xf32, #tpu.memory_space<vmem>>) target(%dma_start3A_434 : memref<10000x128xf32, #tpu.memory_space<vmem_shared>>) offsets(%dma_start3A_431 : memref<80xi32, #tpu.memory_space<vmem>>) semaphore(%arg19 : memref<!tpu.dma_semaphore, #tpu.memory_space<semaphore_mem>>) {add = true}
      %add3A_435 = arith.constant 2 : i32
      %add3A_436 = arith.addi %add3A_307, %add3A_435 : i32
      %add3A_437 = arith.constant 1 : i32
      %add3A_438 = arith.addi %add3A_436, %add3A_437 : i32
      %sub3A_439 = arith.constant 3 : i32
      %sub3A_440 = arith.subi %add3A_438, %sub3A_439 : i32
      %mul3A_441 = arith.constant 80 : i32
      %mul3A_442 = arith.muli %sub3A_440, %mul3A_441 : i32
      %dma_wait3A_443 = tpu.memref_slice %arg10[%mul3A_442] : memref<10000xi32, #tpu.memory_space<vmem>> -> memref<80xi32, #tpu.memory_space<vmem>>
      %dma_wait3A_444 = arith.constant 0 : i32
      %dma_wait3A_445 = arith.constant 0 : i32
      %dma_wait3A_446 = tpu.memref_slice %arg14[%dma_wait3A_444, %dma_wait3A_445] : memref<10000x128xf32, #tpu.memory_space<vmem_shared>> -> memref<10000x128xf32, #tpu.memory_space<vmem_shared>>
      tpu.wait_indirect_dma semaphore(%arg18 : memref<!tpu.dma_semaphore, #tpu.memory_space<semaphore_mem>>) src(%arg11 : memref<80x128xf32, #tpu.memory_space<vmem>>) dst(%dma_wait3A_446 : memref<10000x128xf32, #tpu.memory_space<vmem_shared>>)
      %add3A_447 = arith.constant 1 : i32
      %add3A_448 = arith.addi %add3A_436, %add3A_447 : i32
      %mul3A_449 = arith.constant 80 : i32
      %mul3A_450 = arith.muli %add3A_448, %mul3A_449 : i32
      %add3A_451 = arith.constant 0 : i32
      %add3A_452 = arith.addi %mul3A_450, %add3A_451 : i32
      %mul3A_453 = arith.constant 80 : i32
      %mul3A_454 = arith.muli %add3A_448, %mul3A_453 : i32
      %add3A_455 = arith.constant 40 : i32
      %add3A_456 = arith.addi %mul3A_454, %add3A_455 : i32
      %dma_start3A_457 = arith.constant 0 : i32
      %dma_start3A_458 = arith.constant 0 : i32
      %dma_start3A_459 = tpu.memref_slice %arg11[%dma_start3A_457, %dma_start3A_458] : memref<80x128xf32, #tpu.memory_space<vmem>> -> memref<40x128xf32, #tpu.memory_space<vmem>>
      %dma_start3A_460 = tpu.memref_slice %arg9[%add3A_452] : memref<10000xi32, #tpu.memory_space<vmem>> -> memref<40xi32, #tpu.memory_space<vmem>>
      %dma_start3A_461 = arith.constant 0 : i32
      %dma_start3A_462 = arith.constant 0 : i32
      %dma_start3A_463 = tpu.memref_slice %arg2[%dma_start3A_461, %dma_start3A_462] : memref<10000x128xf32, #tpu.memory_space<hbm>> -> memref<10000x128xf32, #tpu.memory_space<hbm>>
      tpu.enqueue_indirect_dma source(%dma_start3A_463 : memref<10000x128xf32, #tpu.memory_space<hbm>>) target(%dma_start3A_459 : memref<40x128xf32, #tpu.memory_space<vmem>>) offsets(%dma_start3A_460 : memref<40xi32, #tpu.memory_space<vmem>>) semaphore(%arg15 : memref<!tpu.dma_semaphore, #tpu.memory_space<semaphore_mem>>)
      %dma_start3A_464 = arith.constant 40 : i32
      %dma_start3A_465 = arith.constant 0 : i32
      %dma_start3A_466 = tpu.memref_slice %arg11[%dma_start3A_464, %dma_start3A_465] : memref<80x128xf32, #tpu.memory_space<vmem>> -> memref<40x128xf32, #tpu.memory_space<vmem>>
      %dma_start3A_467 = tpu.memref_slice %arg9[%add3A_456] : memref<10000xi32, #tpu.memory_space<vmem>> -> memref<40xi32, #tpu.memory_space<vmem>>
      %dma_start3A_468 = arith.constant 0 : i32
      %dma_start3A_469 = arith.constant 0 : i32
      %dma_start3A_470 = tpu.memref_slice %arg2[%dma_start3A_468, %dma_start3A_469] : memref<10000x128xf32, #tpu.memory_space<hbm>> -> memref<10000x128xf32, #tpu.memory_space<hbm>>
      tpu.enqueue_indirect_dma source(%dma_start3A_470 : memref<10000x128xf32, #tpu.memory_space<hbm>>) target(%dma_start3A_466 : memref<40x128xf32, #tpu.memory_space<vmem>>) offsets(%dma_start3A_467 : memref<40xi32, #tpu.memory_space<vmem>>) semaphore(%arg15 : memref<!tpu.dma_semaphore, #tpu.memory_space<semaphore_mem>>)
      %mul3A_471 = arith.constant 80 : i32
      %mul3A_472 = arith.muli %add3A_436, %mul3A_471 : i32
      %add3A_473 = arith.constant 0 : i32
      %add3A_474 = arith.addi %mul3A_472, %add3A_473 : i32
      %mul3A_475 = arith.constant 80 : i32
      %mul3A_476 = arith.muli %add3A_436, %mul3A_475 : i32
      %add3A_477 = arith.constant 40 : i32
      %add3A_478 = arith.addi %mul3A_476, %add3A_477 : i32
      %dma_wait3A_479 = arith.constant 0 : i32
      %dma_wait3A_480 = arith.constant 0 : i32
      %dma_wait3A_481 = tpu.memref_slice %arg13[%dma_wait3A_479, %dma_wait3A_480] : memref<80x128xf32, #tpu.memory_space<vmem>> -> memref<40x128xf32, #tpu.memory_space<vmem>>
      %dma_wait3A_482 = tpu.memref_slice %arg9[%add3A_474] : memref<10000xi32, #tpu.memory_space<vmem>> -> memref<40xi32, #tpu.memory_space<vmem>>
      %dma_wait3A_483 = arith.constant 0 : i32
      %dma_wait3A_484 = arith.constant 0 : i32
      %dma_wait3A_485 = tpu.memref_slice %arg2[%dma_wait3A_483, %dma_wait3A_484] : memref<10000x128xf32, #tpu.memory_space<hbm>> -> memref<10000x128xf32, #tpu.memory_space<hbm>>
      tpu.wait_indirect_dma semaphore(%arg17 : memref<!tpu.dma_semaphore, #tpu.memory_space<semaphore_mem>>) src(%dma_wait3A_485 : memref<10000x128xf32, #tpu.memory_space<hbm>>) dst(%dma_wait3A_481 : memref<40x128xf32, #tpu.memory_space<vmem>>)
      %dma_wait3A_486 = arith.constant 40 : i32
      %dma_wait3A_487 = arith.constant 0 : i32
      %dma_wait3A_488 = tpu.memref_slice %arg13[%dma_wait3A_486, %dma_wait3A_487] : memref<80x128xf32, #tpu.memory_space<vmem>> -> memref<40x128xf32, #tpu.memory_space<vmem>>
      %dma_wait3A_489 = tpu.memref_slice %arg9[%add3A_478] : memref<10000xi32, #tpu.memory_space<vmem>> -> memref<40xi32, #tpu.memory_space<vmem>>
      %dma_wait3A_490 = arith.constant 0 : i32
      %dma_wait3A_491 = arith.constant 0 : i32
      %dma_wait3A_492 = tpu.memref_slice %arg2[%dma_wait3A_490, %dma_wait3A_491] : memref<10000x128xf32, #tpu.memory_space<hbm>> -> memref<10000x128xf32, #tpu.memory_space<hbm>>
      tpu.wait_indirect_dma semaphore(%arg17 : memref<!tpu.dma_semaphore, #tpu.memory_space<semaphore_mem>>) src(%dma_wait3A_492 : memref<10000x128xf32, #tpu.memory_space<hbm>>) dst(%dma_wait3A_488 : memref<40x128xf32, #tpu.memory_space<vmem>>)
      %mul3A_493 = arith.constant 80 : i32
      %mul3A_494 = arith.muli %add3A_436, %mul3A_493 : i32
      %dma_start3A_495 = tpu.memref_slice %arg10[%mul3A_494] : memref<10000xi32, #tpu.memory_space<vmem>> -> memref<80xi32, #tpu.memory_space<vmem>>
      %dma_start3A_496 = arith.constant 0 : i32
      %dma_start3A_497 = arith.constant 0 : i32
      %dma_start3A_498 = tpu.memref_slice %arg14[%dma_start3A_496, %dma_start3A_497] : memref<10000x128xf32, #tpu.memory_space<vmem_shared>> -> memref<10000x128xf32, #tpu.memory_space<vmem_shared>>
      tpu.enqueue_indirect_dma source(%arg13 : memref<80x128xf32, #tpu.memory_space<vmem>>) target(%dma_start3A_498 : memref<10000x128xf32, #tpu.memory_space<vmem_shared>>) offsets(%dma_start3A_495 : memref<80xi32, #tpu.memory_space<vmem>>) semaphore(%arg20 : memref<!tpu.dma_semaphore, #tpu.memory_space<semaphore_mem>>) {add = true}
    }
    %scan3A_214 = arith.constant 40 : i32
    %dma_wait3A_215 = arith.constant 9680 : i32
    %dma_wait3A_216 = tpu.memref_slice %arg10[%dma_wait3A_215] : memref<10000xi32, #tpu.memory_space<vmem>> -> memref<80xi32, #tpu.memory_space<vmem>>
    %dma_wait3A_217 = arith.constant 0 : i32
    %dma_wait3A_218 = arith.constant 0 : i32
    %dma_wait3A_219 = tpu.memref_slice %arg14[%dma_wait3A_217, %dma_wait3A_218] : memref<10000x128xf32, #tpu.memory_space<vmem_shared>> -> memref<10000x128xf32, #tpu.memory_space<vmem_shared>>
    tpu.wait_indirect_dma semaphore(%arg19 : memref<!tpu.dma_semaphore, #tpu.memory_space<semaphore_mem>>) src(%arg12 : memref<80x128xf32, #tpu.memory_space<vmem>>) dst(%dma_wait3A_219 : memref<10000x128xf32, #tpu.memory_space<vmem_shared>>)
    %dma_start3A_220 = arith.constant 0 : i32
    %dma_start3A_221 = arith.constant 0 : i32
    %dma_start3A_222 = tpu.memref_slice %arg12[%dma_start3A_220, %dma_start3A_221] : memref<80x128xf32, #tpu.memory_space<vmem>> -> memref<40x128xf32, #tpu.memory_space<vmem>>
    %dma_start3A_223 = arith.constant 9920 : i32
    %dma_start3A_224 = tpu.memref_slice %arg9[%dma_start3A_223] : memref<10000xi32, #tpu.memory_space<vmem>> -> memref<40xi32, #tpu.memory_space<vmem>>
    %dma_start3A_225 = arith.constant 0 : i32
    %dma_start3A_226 = arith.constant 0 : i32
    %dma_start3A_227 = tpu.memref_slice %arg2[%dma_start3A_225, %dma_start3A_226] : memref<10000x128xf32, #tpu.memory_space<hbm>> -> memref<10000x128xf32, #tpu.memory_space<hbm>>
    tpu.enqueue_indirect_dma source(%dma_start3A_227 : memref<10000x128xf32, #tpu.memory_space<hbm>>) target(%dma_start3A_222 : memref<40x128xf32, #tpu.memory_space<vmem>>) offsets(%dma_start3A_224 : memref<40xi32, #tpu.memory_space<vmem>>) semaphore(%arg16 : memref<!tpu.dma_semaphore, #tpu.memory_space<semaphore_mem>>)
    %dma_start3A_228 = arith.constant 40 : i32
    %dma_start3A_229 = arith.constant 0 : i32
    %dma_start3A_230 = tpu.memref_slice %arg12[%dma_start3A_228, %dma_start3A_229] : memref<80x128xf32, #tpu.memory_space<vmem>> -> memref<40x128xf32, #tpu.memory_space<vmem>>
    %dma_start3A_231 = arith.constant 9960 : i32
    %dma_start3A_232 = tpu.memref_slice %arg9[%dma_start3A_231] : memref<10000xi32, #tpu.memory_space<vmem>> -> memref<40xi32, #tpu.memory_space<vmem>>
    %dma_start3A_233 = arith.constant 0 : i32
    %dma_start3A_234 = arith.constant 0 : i32
    %dma_start3A_235 = tpu.memref_slice %arg2[%dma_start3A_233, %dma_start3A_234] : memref<10000x128xf32, #tpu.memory_space<hbm>> -> memref<10000x128xf32, #tpu.memory_space<hbm>>
    tpu.enqueue_indirect_dma source(%dma_start3A_235 : memref<10000x128xf32, #tpu.memory_space<hbm>>) target(%dma_start3A_230 : memref<40x128xf32, #tpu.memory_space<vmem>>) offsets(%dma_start3A_232 : memref<40xi32, #tpu.memory_space<vmem>>) semaphore(%arg16 : memref<!tpu.dma_semaphore, #tpu.memory_space<semaphore_mem>>)
    %dma_wait3A_236 = arith.constant 0 : i32
    %dma_wait3A_237 = arith.constant 0 : i32
    %dma_wait3A_238 = tpu.memref_slice %arg11[%dma_wait3A_236, %dma_wait3A_237] : memref<80x128xf32, #tpu.memory_space<vmem>> -> memref<40x128xf32, #tpu.memory_space<vmem>>
    %dma_wait3A_239 = arith.constant 9840 : i32
    %dma_wait3A_240 = tpu.memref_slice %arg9[%dma_wait3A_239] : memref<10000xi32, #tpu.memory_space<vmem>> -> memref<40xi32, #tpu.memory_space<vmem>>
    %dma_wait3A_241 = arith.constant 0 : i32
    %dma_wait3A_242 = arith.constant 0 : i32
    %dma_wait3A_243 = tpu.memref_slice %arg2[%dma_wait3A_241, %dma_wait3A_242] : memref<10000x128xf32, #tpu.memory_space<hbm>> -> memref<10000x128xf32, #tpu.memory_space<hbm>>
    tpu.wait_indirect_dma semaphore(%arg15 : memref<!tpu.dma_semaphore, #tpu.memory_space<semaphore_mem>>) src(%dma_wait3A_243 : memref<10000x128xf32, #tpu.memory_space<hbm>>) dst(%dma_wait3A_238 : memref<40x128xf32, #tpu.memory_space<vmem>>)
    %dma_wait3A_244 = arith.constant 40 : i32
    %dma_wait3A_245 = arith.constant 0 : i32
    %dma_wait3A_246 = tpu.memref_slice %arg11[%dma_wait3A_244, %dma_wait3A_245] : memref<80x128xf32, #tpu.memory_space<vmem>> -> memref<40x128xf32, #tpu.memory_space<vmem>>
    %dma_wait3A_247 = arith.constant 9880 : i32
    %dma_wait3A_248 = tpu.memref_slice %arg9[%dma_wait3A_247] : memref<10000xi32, #tpu.memory_space<vmem>> -> memref<40xi32, #tpu.memory_space<vmem>>
    %dma_wait3A_249 = arith.constant 0 : i32
    %dma_wait3A_250 = arith.constant 0 : i32
    %dma_wait3A_251 = tpu.memref_slice %arg2[%dma_wait3A_249, %dma_wait3A_250] : memref<10000x128xf32, #tpu.memory_space<hbm>> -> memref<10000x128xf32, #tpu.memory_space<hbm>>
    tpu.wait_indirect_dma semaphore(%arg15 : memref<!tpu.dma_semaphore, #tpu.memory_space<semaphore_mem>>) src(%dma_wait3A_251 : memref<10000x128xf32, #tpu.memory_space<hbm>>) dst(%dma_wait3A_246 : memref<40x128xf32, #tpu.memory_space<vmem>>)
    %dma_start3A_252 = arith.constant 9840 : i32
    %dma_start3A_253 = tpu.memref_slice %arg10[%dma_start3A_252] : memref<10000xi32, #tpu.memory_space<vmem>> -> memref<80xi32, #tpu.memory_space<vmem>>
    %dma_start3A_254 = arith.constant 0 : i32
    %dma_start3A_255 = arith.constant 0 : i32
    %dma_start3A_256 = tpu.memref_slice %arg14[%dma_start3A_254, %dma_start3A_255] : memref<10000x128xf32, #tpu.memory_space<vmem_shared>> -> memref<10000x128xf32, #tpu.memory_space<vmem_shared>>
    tpu.enqueue_indirect_dma source(%arg11 : memref<80x128xf32, #tpu.memory_space<vmem>>) target(%dma_start3A_256 : memref<10000x128xf32, #tpu.memory_space<vmem_shared>>) offsets(%dma_start3A_253 : memref<80xi32, #tpu.memory_space<vmem>>) semaphore(%arg18 : memref<!tpu.dma_semaphore, #tpu.memory_space<semaphore_mem>>) {add = true}
    %dma_wait3A_257 = arith.constant 0 : i32
    %dma_wait3A_258 = arith.constant 0 : i32
    %dma_wait3A_259 = tpu.memref_slice %arg12[%dma_wait3A_257, %dma_wait3A_258] : memref<80x128xf32, #tpu.memory_space<vmem>> -> memref<40x128xf32, #tpu.memory_space<vmem>>
    %dma_wait3A_260 = arith.constant 9920 : i32
    %dma_wait3A_261 = tpu.memref_slice %arg9[%dma_wait3A_260] : memref<10000xi32, #tpu.memory_space<vmem>> -> memref<40xi32, #tpu.memory_space<vmem>>
    %dma_wait3A_262 = arith.constant 0 : i32
    %dma_wait3A_263 = arith.constant 0 : i32
    %dma_wait3A_264 = tpu.memref_slice %arg2[%dma_wait3A_262, %dma_wait3A_263] : memref<10000x128xf32, #tpu.memory_space<hbm>> -> memref<10000x128xf32, #tpu.memory_space<hbm>>
    tpu.wait_indirect_dma semaphore(%arg16 : memref<!tpu.dma_semaphore, #tpu.memory_space<semaphore_mem>>) src(%dma_wait3A_264 : memref<10000x128xf32, #tpu.memory_space<hbm>>) dst(%dma_wait3A_259 : memref<40x128xf32, #tpu.memory_space<vmem>>)
    %dma_wait3A_265 = arith.constant 40 : i32
    %dma_wait3A_266 = arith.constant 0 : i32
    %dma_wait3A_267 = tpu.memref_slice %arg12[%dma_wait3A_265, %dma_wait3A_266] : memref<80x128xf32, #tpu.memory_space<vmem>> -> memref<40x128xf32, #tpu.memory_space<vmem>>
    %dma_wait3A_268 = arith.constant 9960 : i32
    %dma_wait3A_269 = tpu.memref_slice %arg9[%dma_wait3A_268] : memref<10000xi32, #tpu.memory_space<vmem>> -> memref<40xi32, #tpu.memory_space<vmem>>
    %dma_wait3A_270 = arith.constant 0 : i32
    %dma_wait3A_271 = arith.constant 0 : i32
    %dma_wait3A_272 = tpu.memref_slice %arg2[%dma_wait3A_270, %dma_wait3A_271] : memref<10000x128xf32, #tpu.memory_space<hbm>> -> memref<10000x128xf32, #tpu.memory_space<hbm>>
    tpu.wait_indirect_dma semaphore(%arg16 : memref<!tpu.dma_semaphore, #tpu.memory_space<semaphore_mem>>) src(%dma_wait3A_272 : memref<10000x128xf32, #tpu.memory_space<hbm>>) dst(%dma_wait3A_267 : memref<40x128xf32, #tpu.memory_space<vmem>>)
    %dma_start3A_273 = arith.constant 9920 : i32
    %dma_start3A_274 = tpu.memref_slice %arg10[%dma_start3A_273] : memref<10000xi32, #tpu.memory_space<vmem>> -> memref<80xi32, #tpu.memory_space<vmem>>
    %dma_start3A_275 = arith.constant 0 : i32
    %dma_start3A_276 = arith.constant 0 : i32
    %dma_start3A_277 = tpu.memref_slice %arg14[%dma_start3A_275, %dma_start3A_276] : memref<10000x128xf32, #tpu.memory_space<vmem_shared>> -> memref<10000x128xf32, #tpu.memory_space<vmem_shared>>
    tpu.enqueue_indirect_dma source(%arg12 : memref<80x128xf32, #tpu.memory_space<vmem>>) target(%dma_start3A_277 : memref<10000x128xf32, #tpu.memory_space<vmem_shared>>) offsets(%dma_start3A_274 : memref<80xi32, #tpu.memory_space<vmem>>) semaphore(%arg19 : memref<!tpu.dma_semaphore, #tpu.memory_space<semaphore_mem>>) {add = true}
    %dma_wait3A_278 = arith.constant 9760 : i32
    %dma_wait3A_279 = tpu.memref_slice %arg10[%dma_wait3A_278] : memref<10000xi32, #tpu.memory_space<vmem>> -> memref<80xi32, #tpu.memory_space<vmem>>
    %dma_wait3A_280 = arith.constant 0 : i32
    %dma_wait3A_281 = arith.constant 0 : i32
    %dma_wait3A_282 = tpu.memref_slice %arg14[%dma_wait3A_280, %dma_wait3A_281] : memref<10000x128xf32, #tpu.memory_space<vmem_shared>> -> memref<10000x128xf32, #tpu.memory_space<vmem_shared>>
    tpu.wait_indirect_dma semaphore(%arg20 : memref<!tpu.dma_semaphore, #tpu.memory_space<semaphore_mem>>) src(%arg13 : memref<80x128xf32, #tpu.memory_space<vmem>>) dst(%dma_wait3A_282 : memref<10000x128xf32, #tpu.memory_space<vmem_shared>>)
    %dma_wait3A_283 = arith.constant 9840 : i32
    %dma_wait3A_284 = tpu.memref_slice %arg10[%dma_wait3A_283] : memref<10000xi32, #tpu.memory_space<vmem>> -> memref<80xi32, #tpu.memory_space<vmem>>
    %dma_wait3A_285 = arith.constant 0 : i32
    %dma_wait3A_286 = arith.constant 0 : i32
    %dma_wait3A_287 = tpu.memref_slice %arg14[%dma_wait3A_285, %dma_wait3A_286] : memref<10000x128xf32, #tpu.memory_space<vmem_shared>> -> memref<10000x128xf32, #tpu.memory_space<vmem_shared>>
    tpu.wait_indirect_dma semaphore(%arg18 : memref<!tpu.dma_semaphore, #tpu.memory_space<semaphore_mem>>) src(%arg11 : memref<80x128xf32, #tpu.memory_space<vmem>>) dst(%dma_wait3A_287 : memref<10000x128xf32, #tpu.memory_space<vmem_shared>>)
    %dma_wait3A_288 = arith.constant 9920 : i32
    %dma_wait3A_289 = tpu.memref_slice %arg10[%dma_wait3A_288] : memref<10000xi32, #tpu.memory_space<vmem>> -> memref<80xi32, #tpu.memory_space<vmem>>
    %dma_wait3A_290 = arith.constant 0 : i32
    %dma_wait3A_291 = arith.constant 0 : i32
    %dma_wait3A_292 = tpu.memref_slice %arg14[%dma_wait3A_290, %dma_wait3A_291] : memref<10000x128xf32, #tpu.memory_space<vmem_shared>> -> memref<10000x128xf32, #tpu.memory_space<vmem_shared>>
    tpu.wait_indirect_dma semaphore(%arg19 : memref<!tpu.dma_semaphore, #tpu.memory_space<semaphore_mem>>) src(%arg12 : memref<80x128xf32, #tpu.memory_space<vmem>>) dst(%dma_wait3A_292 : memref<10000x128xf32, #tpu.memory_space<vmem_shared>>)
    %barrier3A_293 = arith.constant 0 : index
    tpu.barrier barrier_id(%barrier3A_293)
    %mul3A_294 = arith.constant 624 : i32
    %mul3A_295 = arith.muli %arg1, %mul3A_294 : i32
    %mul3A_296 = arith.constant 624 : i32
    %mul3A_297 = arith.muli %arg1, %mul3A_296 : i32
    "tpu.region"() ({
      %run_scoped3A = tpu.sem_alloc : memref<!tpu.dma_semaphore, #tpu.memory_space<semaphore_mem>>
      %dma_start3A_303 = arith.constant 0 : i32
      %dma_start3A_304 = tpu.memref_slice %arg7[%arg0, %mul3A_297, %dma_start3A_303] : memref<2x10000x128xf32, #tpu.memory_space<hbm>> -> memref<1x624x128xf32, #tpu.memory_space<hbm>>
      %dma_start3A_305 = tpu.memref_squeeze %dma_start3A_304 : memref<1x624x128xf32, #tpu.memory_space<hbm>> -> memref<624x128xf32, #tpu.memory_space<hbm>>
      %dma_start3A_306 = arith.constant 0 : i32
      %dma_start3A_307 = tpu.memref_slice %arg14[%mul3A_295, %dma_start3A_306] : memref<10000x128xf32, #tpu.memory_space<vmem_shared>> -> memref<624x128xf32, #tpu.memory_space<vmem_shared>>
      tpu.enqueue_dma source(%dma_start3A_307 : memref<624x128xf32, #tpu.memory_space<vmem_shared>>) target(%dma_start3A_305 : memref<624x128xf32, #tpu.memory_space<hbm>>) target_semaphore(%run_scoped3A : memref<!tpu.dma_semaphore, #tpu.memory_space<semaphore_mem>>)
      %dma_wait3A_308 = arith.constant 0 : i32
      %dma_wait3A_309 = tpu.memref_slice %arg7[%arg0, %mul3A_297, %dma_wait3A_308] : memref<2x10000x128xf32, #tpu.memory_space<hbm>> -> memref<1x624x128xf32, #tpu.memory_space<hbm>>
      %dma_wait3A_310 = tpu.memref_squeeze %dma_wait3A_309 : memref<1x624x128xf32, #tpu.memory_space<hbm>> -> memref<624x128xf32, #tpu.memory_space<hbm>>
      %dma_wait3A_311 = arith.constant 0 : i32
      %dma_wait3A_312 = tpu.memref_slice %arg14[%mul3A_295, %dma_wait3A_311] : memref<10000x128xf32, #tpu.memory_space<vmem_shared>> -> memref<624x128xf32, #tpu.memory_space<vmem_shared>>
      tpu.wait_dma2 semaphore(%run_scoped3A : memref<!tpu.dma_semaphore, #tpu.memory_space<semaphore_mem>>) src(%dma_wait3A_312 : memref<624x128xf32, #tpu.memory_space<vmem_shared>>) dst(%dma_wait3A_310 : memref<624x128xf32, #tpu.memory_space<hbm>>)
      tpu.yield
    }) : () -> ()
    %eq3A_298 = arith.constant 0 : i32
    %eq3A_299 = arith.cmpi eq, %arg1, %eq3A_298 : i32
    %convert_element_type3A_300 = arith.extui %eq3A_299 : i1 to i32
    %cond3A_301 = arith.constant 0 : i32
    %cond3A_302 = arith.cmpi ne, %convert_element_type3A_300, %cond3A_301 : i32
    scf.if %cond3A_302 {
      "tpu.region"() ({
        %run_scoped3A = tpu.sem_alloc : memref<!tpu.dma_semaphore, #tpu.memory_space<semaphore_mem>>
        %dma_start3A_303 = arith.constant 9984 : i32
        %dma_start3A_304 = arith.constant 0 : i32
        %dma_start3A_305 = tpu.memref_slice %arg7[%arg0, %dma_start3A_303, %dma_start3A_304] : memref<2x10000x128xf32, #tpu.memory_space<hbm>> -> memref<1x16x128xf32, #tpu.memory_space<hbm>>
        %dma_start3A_306 = tpu.memref_squeeze %dma_start3A_305 : memref<1x16x128xf32, #tpu.memory_space<hbm>> -> memref<16x128xf32, #tpu.memory_space<hbm>>
        %dma_start3A_307 = arith.constant 9984 : i32
        %dma_start3A_308 = arith.constant 0 : i32
        %dma_start3A_309 = tpu.memref_slice %arg14[%dma_start3A_307, %dma_start3A_308] : memref<10000x128xf32, #tpu.memory_space<vmem_shared>> -> memref<16x128xf32, #tpu.memory_space<vmem_shared>>
        tpu.enqueue_dma source(%dma_start3A_309 : memref<16x128xf32, #tpu.memory_space<vmem_shared>>) target(%dma_start3A_306 : memref<16x128xf32, #tpu.memory_space<hbm>>) target_semaphore(%run_scoped3A : memref<!tpu.dma_semaphore, #tpu.memory_space<semaphore_mem>>)
        %dma_wait3A_310 = arith.constant 9984 : i32
        %dma_wait3A_311 = arith.constant 0 : i32
        %dma_wait3A_312 = tpu.memref_slice %arg7[%arg0, %dma_wait3A_310, %dma_wait3A_311] : memref<2x10000x128xf32, #tpu.memory_space<hbm>> -> memref<1x16x128xf32, #tpu.memory_space<hbm>>
        %dma_wait3A_313 = tpu.memref_squeeze %dma_wait3A_312 : memref<1x16x128xf32, #tpu.memory_space<hbm>> -> memref<16x128xf32, #tpu.memory_space<hbm>>
        %dma_wait3A_314 = arith.constant 9984 : i32
        %dma_wait3A_315 = arith.constant 0 : i32
        %dma_wait3A_316 = tpu.memref_slice %arg14[%dma_wait3A_314, %dma_wait3A_315] : memref<10000x128xf32, #tpu.memory_space<vmem_shared>> -> memref<16x128xf32, #tpu.memory_space<vmem_shared>>
        tpu.wait_dma2 semaphore(%run_scoped3A : memref<!tpu.dma_semaphore, #tpu.memory_space<semaphore_mem>>) src(%dma_wait3A_316 : memref<16x128xf32, #tpu.memory_space<vmem_shared>>) dst(%dma_wait3A_313 : memref<16x128xf32, #tpu.memory_space<hbm>>)
        tpu.yield
      }) : () -> ()
    } else {
    }
    return
  }
}

</mosaic_0001>

<sc_bundles>
// kernel: _segsum.3.cloned.1.call-start
scs
__scs_entry_jumppad:
0x0: {  	(pc) =	sbr.rel $0x88, $3  }
0x1: {  	(tag) =	ssettag $0x0;
	lr =	simm.s32 $0x1  }
0x2: {  	[smem:$0x3F9E] =	sst lr;
	_ =	strace $0xD0000000  }
0x3: {  	_ = 	snop  }
0x4: {  	_ = 	snop  }
0x5: {  	_ = 	snop  }
0x6: {  	_ = 	snop  }
0x7: {  	_ = 	snop  }
__scs_overlays_trampoline_lowered:
0x8: {  	[smem:$0x3FAD] =	sst s0  }
0x9: {  	[smem:$0x3FAE] =	sst s1  }
0xa: {  	[smem:$0x3FAF] =	sst s2  }
0xb: {  	[smem:$0x3FB0] =	sst s3  }
0xc: {  	[smem:$0x3FB1] =	sst s4  }
0xd: {  	[smem:$0x3FB2] =	sst s5  }
0xe: {  	[smem:$0x3FB3] =	sst s6  }
0xf: {  	[smem:$0x3FB4] =	sst s7  }
0x10: {  	[smem:$0x3FB5] =	sst s8  }
0x11: {  	[smem:$0x3FB6] =	sst s9;
	s0 =	simm.s32 @!p0 $0x0  }
0x12: {  	s1 =	sld [smem:$0x3F9C];
	s0 =	simm.s32 @p0 $0x1  }
0x13: {  	[smem:$0x3FB7] =	sst s0;
	s0 =	simm.s32 @!p1 $0x0  }
0x14: {  	s2 =	sld [smem:$0x3F9B];
	s0 =	simm.s32 @p1 $0x1  }
0x15: {  	[smem:$0x3FB8] =	sst s0;
	s0 =	simm.s32 @!p2 $0x0  }
0x16: {  	s3 =	sld [smem:$0x3FDB];
	s0 =	simm.s32 @p2 $0x1  }
0x17: {  	s4 =	simm.s32 $0x1BF5;
	[smem:$0x3FBA] =	sst s0  }
0x18: {  	s0 =	sld [smem:$0x3F9D];
	_ =	swait.ge [sflag:s4], $0x0  }
0x19: {  	s7 =	sld [smem:$0x3F9E]  }
0x1a: {  	s8 =	sadd.s32 $0xFFFFE003, lr  }
0x1b: {  	s9 =	sadd.s32 $0xFFFFFEF7, lr;
	s5 =	simm.s32 $0xFFFFFFFF;
	p2 =	slt.u32 s8, $0xFFFFF086  }
0x1c: {  	p1 =	slt.u32 s9, $0xF7A;
	s5 =	simm.s32 @!p2 $0x0  }
0x1d: {  	s5 =	simm.s32 @p1 $0x1;
	p0 =	seq.s32 s7, s2  }
0x1e: {  	s7 =	smul.u32 @!p0 $0xF7A, s2;
	p2 =	seq.s32 @!p0 s5, $0x0  }
0x1f: {  	s9 =	smul.u32 $0xF7A, s1;
	s8 =	simm.s32 @!p0 $0x1BF5;
	p2 =	por !p2, p0  }
0x20: {  	[sflag:s8] =	ssyncset.s32 @!p0 $0xFFFFF086;
	s6 =	sadd.s32 @!p0 s3, s7;
	s7 =	simm.s32 @!p0 $0x108  }
0x21: {  	s3 =	sadd.s32 s3, s9;
	s6 =	sadd.s32 @!p0 $0x88, s6;
	s7 =	simm.s32 @p2 $0x1082  }
0x22: {  	[simem:s7], [sflag:s8] =	dma.local @!p0 [hbm:s6], $0xF7A  }
0x23: {  	s9 =	sor.u32 $0xD0000000, s2;
	s6 =	simm.s32 $0x108;
	_ =	swait.ge @!p0 [sflag:s8], $0x0  }
0x24: {  	s3 =	sadd.s32 $0x88, s3;
	s6 =	simm.s32 @!p1 $0x1082;
	[sflag:s4] =	ssyncset.s32 $0xFFFFF086  }
0x25: {  	[simem:s6], [sflag:s4] =	dma.local [hbm:s3], $0xF7A  }
0x26: {  	[smem:$0x3F9E] =	sst s1;
	(tag) =	ssettag s2;
	_ =	strace s9  }
0x27: {  	s1 =	sld [smem:$0x3FAE]  }
0x28: {  	s2 =	sld [smem:$0x3FAF]  }
0x29: {  	s4 =	sld [smem:$0x3FB1]  }
0x2a: {  	p0 =	seq.s32 s5, $0x0;
	s5 =	sld [smem:$0x3FB2]  }
0x2b: {  	s6 =	sld [smem:$0x3FB3]  }
0x2c: {  	s7 =	sld [smem:$0x3FB4]  }
0x2d: {  	s3 =	simm.s32 $0x108;
	s8 =	sld [smem:$0x3FB5]  }
0x2e: {  	s3 =	simm.s32 @!p0 $0x1082;
	s9 =	sld [smem:$0x3FB6]  }
0x2f: {  	lr =	sadd.s32 s0, s3;
	s0 =	sld [smem:$0x3FAD]  }
0x30: {  	s3 =	sld [smem:$0x3FB0]  }
0x31: {  	[smem:$0x3FB9] =	sst s10  }
0x32: {  	s10 =	sld [smem:$0x3FB7];
	_ =	sdelay $0x3  }
0x33: {  	p0 =	seq.s32 s10, $0x1;
	s10 =	sld [smem:$0x3FB9];
	_ =	sdelay $0x3  }
0x34: {  	[smem:$0x3FB9] =	sst s10  }
0x35: {  	s10 =	sld [smem:$0x3FB8];
	_ =	sdelay $0x3  }
0x36: {  	p1 =	seq.s32 s10, $0x1;
	s10 =	sld [smem:$0x3FB9];
	_ =	sdelay $0x3  }
0x37: {  	[smem:$0x3FB9] =	sst s10  }
0x38: {  	s10 =	sld [smem:$0x3FBA]  }
0x39: {  	_ = 	snop;
	(pc) =	sbr.ind lr, $3  }
0x3a: {  	_ = 	snop  }
0x3b: {  	_ = 	snop  }
0x3c: {  	p2 =	seq.s32 s10, $0x1;
	s10 =	sld [smem:$0x3FB9]  }
0x3d: {  	_ =	shalt  }
0x3e: {  	_ =	shalt  }
0x3f: {  	_ =	shalt  }
0x40: {  	_ =	shalt  }
0x41: {  	_ =	shalt  }
0x42: {  	_ =	shalt  }
0x43: {  	_ =	shalt  }
0x44: {  	_ =	shalt  }
0x45: {  	_ =	shalt  }
0x46: {  	_ =	shalt  }
0x47: {  	_ =	shalt  }
0x48: {  	_ =	shalt  }
0x49: {  	_ =	shalt  }
0x4a: {  	_ =	shalt  }
0x4b: {  	_ =	shalt  }
0x4c: {  	_ =	shalt  }
0x4d: {  	_ =	shalt  }
0x4e: {  	_ =	shalt  }
0x4f: {  	_ =	shalt  }
0x50: {  	_ =	shalt  }
0x51: {  	_ =	shalt  }
0x52: {  	_ =	shalt  }
0x53: {  	_ =	shalt  }
0x54: {  	_ =	shalt  }
0x55: {  	_ =	shalt  }
0x56: {  	_ =	shalt  }
0x57: {  	_ =	shalt  }
0x58: {  	_ =	shalt  }
0x59: {  	_ =	shalt  }
0x5a: {  	_ =	shalt  }
0x5b: {  	_ =	shalt  }
0x5c: {  	_ =	shalt  }
0x5d: {  	_ =	shalt  }
0x5e: {  	_ =	shalt  }
0x5f: {  	_ =	shalt  }
0x60: {  	_ =	shalt  }
0x61: {  	_ =	shalt  }
0x62: {  	_ =	shalt  }
0x63: {  	_ =	shalt  }
0x64: {  	_ =	shalt  }
0x65: {  	_ =	shalt  }
0x66: {  	_ =	shalt  }
0x67: {  	_ =	shalt  }
0x68: {  	_ =	shalt  }
0x69: {  	_ =	shalt  }
0x6a: {  	_ =	shalt  }
0x6b: {  	_ =	shalt  }
0x6c: {  	_ =	shalt  }
0x6d: {  	_ =	shalt  }
0x6e: {  	_ =	shalt  }
0x6f: {  	_ =	shalt  }
0x70: {  	_ =	shalt  }
0x71: {  	_ =	shalt  }
0x72: {  	_ =	shalt  }
0x73: {  	_ =	shalt  }
0x74: {  	_ =	shalt  }
0x75: {  	_ =	shalt  }
0x76: {  	_ =	shalt  }
0x77: {  	_ =	shalt  }
0x78: {  	_ =	shalt  }
0x79: {  	_ =	shalt  }
0x7a: {  	_ =	shalt  }
0x7b: {  	_ =	shalt  }
0x7c: {  	_ =	shalt  }
0x7d: {  	_ =	shalt  }
0x7e: {  	_ =	shalt  }
0x7f: {  	_ =	shalt  }
0x80: {  	_ =	shalt  }
0x81: {  	_ =	shalt  }
0x82: {  	_ =	shalt  }
0x83: {  	_ =	shalt  }
0x84: {  	_ =	shalt  }
0x85: {  	_ =	shalt  }
0x86: {  	_ =	shalt  }
0x87: {  	_ =	shalt  }
.Lfunc_end0:
.L_simem_size_0:
called_computation_lowered:
.L_overlay_start_0:
0x88: {  	s2 =	sld [smem:$0x3FD9]  }
0x89: {  	s3 =	sld [smem:$0x3FFE];
	_ =	sdelay $0x1  }
0x8a: {  	s1 =	srdreg.scid  }
0x8b: {  	s0 =	sand.u32 $0x1, s1  }
0x8c: {  	s14 =	sshll.u32 s0, $0xA;
	s2 =	sadd.s32 s3, s2  }
0x8d: {  	s2 =	sadd.s32 s2, s14  }
0x8e: {  	[smem:$0x3FC5] =	sst s2  }
0x8f: {  	_ = 	snop  }
0x90: {  	s2 =	sld [smem:$0x3FD0]  }
0x91: {  	s15 =	sld [smem:$0x3FC9]  }
0x92: {  	s4 =	sld [smem:$0x3FC8]  }
0x93: {  	s6 =	simm.s32 $0xA;
	s7 =	simm.s32 $0x10;
	s5 =	sld [smem:$0x3FC7]  }
0x94: {  	[smem:s7], [sflag:s6] =	dma.local [hbm:s2], $0x1  }
0x95: {  	_ =	swait.eq [sflag:s6], $0x1  }
0x96: {  	[sflag:s6] =	ssyncset.done $0x0  }
0x97: {  	s16 =	sld [smem:$0x10];
	[sflag:s6] =	ssyncadd.s32 $0xFFFFFFFF  }
0x98: {  	s17 =	sld [smem:$0x11];
	(tm) =	ssettm $0x1  }
0x99: {  	s18 =	sld [smem:$0x3FFB];
	_ =	sdelay $0x3  }
0x9a: {  	_ =	strace s18  }
0x9b: {  	s7 =	sld [smem:$0x3FFC];
	_ =	sdelay $0x3  }
0x9c: {  	_ =	strace s7  }
0x9d: {  	s7 =	sld [smem:$0x3FFD];
	_ =	sdelay $0x3  }
0x9e: {  	_ =	strace s7  }
0x9f: {  	_ =	strace $0x8FFFFFFF  }
0xa0: {  	s19 =	sld [smem:$0x3FDB];
	_ =	sdelay $0x1  }
0xa1: {  	s8 =	simm.s32 $_scs_section_size  }
0xa2: {  	s9 =	simm.s32 $_size__tile_overlayer_lowered;
	s10 =	simm.s32 $_tile_overlayer_lowered  }
0xa3: {  	s22 =	simm.s32 $0x1BFF;
	s21 =	sshll.u32 s10, $0x1;
	s7 =	sadd.s32 s8, s19  }
0xa4: {  	s11 =	simm.s32 $0x0;
	s20 =	sshll.u32 s9, $0x1;
	s9 =	sadd.s32 s21, s7  }
0xa5: {  	[timem:s11], [sflag:s22] =	dma.local [hbm:s9], s20  }
0xa6: {  	_ =	swait.ge [sflag:s22], s20  }
0xa7: {  	s8 =	ssub.s32 $0x0, s20;
	[sflag:s22] =	ssyncset.done $0x0  }
0xa8: {  	[sflag:s22] =	ssyncadd.s32 s8;
	_ =	sdelay $0x1  }
0xa9: {  	s23 =	simm.s32 $0x1B8B  }
0xaa: {  	_ =	swait.ge [sflag:s23], $0x1  }
0xab: {  	[sflag:s23] =	ssyncset.done $0x0  }
0xac: {  	s25 =	simm.s32 $0x1B8E;
	s24 =	sld [smem:$0x3FFE];
	[sflag:s23] =	ssyncadd.s32 $0xFFFFFFFF  }
0xad: {  	s26 =	simm.s32 $execute0_lowered;
	[smem:$0x3FD2] =	sst s25  }
0xae: {  	s9 =	sshll.u32 s26, $0x1;
	_ =	strace $0x80000046;
	[dreg:$0x1] =	wrdreg $0xFFFFFFFF  }
0xaf: {  	s28 =	simm.s32 $_size_execute0_lowered;
	s7 =	sadd.s32 s7, s9;
	[dreg:$0x0] =	wrdreg $0x0  }
0xb0: {  	s9 =	sshll.u32 s28, $0x1;
	[dreg:$0x2] =	wrdreg s7  }
0xb1: {  	[dreg:$0x3] =	wrdreg s9  }
0xb2: {  	[dreg:$0x4] =	wrdreg $0xC0  }
0xb3: {  	_ =	task [dreg:s11], $0x5FFFF  }
0xb4: {  	[dreg:$0x1] =	wrdreg $0xFFFFFFFF  }
0xb5: {  	[dreg:$0x0] =	wrdreg $0x60  }
0xb6: {  	[dreg:$0x2] =	wrdreg s15  }
0xb7: {  	[dreg:$0x3] =	wrdreg s4  }
0xb8: {  	[dreg:$0x4] =	wrdreg s5  }
0xb9: {  	[dreg:$0x5] =	wrdreg s24  }
0xba: {  	[dreg:$0x6] =	wrdreg s16  }
0xbb: {  	[dreg:$0x7] =	wrdreg s17  }
0xbc: {  	[dreg:$0x8] =	wrdreg $0xC7000  }
0xbd: {  	[dreg:$0x9] =	wrdreg $0x9  }
0xbe: {  	_ =	task.clear_ibuf [dreg:s11], $0xAFFFF;
	_ =	strace $0x90000046  }
0xbf: {  	s29 =	simm.s32 $0x9;
	_ =	strace $0x80000048  }
0xc0: {  	_ =	swait.ge [sflag:s29], $0x1  }
0xc1: {  	[sflag:s29] =	ssyncadd.s32 $0xFFFFFFFF  }
0xc2: {  	_ =	strace $0x90000048  }
0xc3: {  	_ =	sfence  }
0xc4: {  	s30 =	sld [smem:$0x0];
	_ =	sdelay $0x2  }
0xc5: {  	s31 =	sshll.u32 s1, $0xD;
	s1 =	sshrl.u32 s1, $0x2  }
0xc6: {  	s3 =	sand.u32 $0x4000, s31;
	s1 =	sadd.s32 s1, s30  }
0xc7: {  	s0 =	sor.u32 s3, s0;
	s1 =	sshll.u32 s1, $0x11  }
0xc8: {  	s0 =	sor.u32 s1, s0  }
0xc9: {  	s0 =	sadd.s32 $0x8F2B, s0  }
0xca: {  	[sflag:s0] =	ssyncadd.remote.s32 $0x1  }
0xcb: {  	_ =	sfence.sel $0xFFFF  }
0xcc: {  	[dreg:$0x0] =	wrdreg $0xFFFFFFFF;
	(pc) =	sbr.abs _section_cstart, $3  }
0xcd: {  	[dreg:$0x1] =	wrdreg $0xFFFFFFFF  }
0xce: {  	_ =	task.clear_ibuf [dreg:s11], $0x2FFFF;
	_ =	strace $0x9FFFFFFF  }
0xcf: {  	(tm) =	ssettm $0x7FFFFFFF  }
tec
execute0_lowered:
.L_overlay_start_1:
0x0: {  	(tag) =	ssettag $0x1  }
0x1: {  	s0 =	rddreg [dreg:$0x0]  }
0x2: {  	s1 =	rddreg [dreg:$0x1]  }
0x3: {  	s5 =	rddreg [dreg:$0x2]  }
0x4: {  	s6 =	rddreg [dreg:$0x3]  }
0x5: {  	s7 =	rddreg [dreg:$0x4]  }
0x6: {  	s9 =	rddreg [dreg:$0x5]  }
0x7: {  	s3 =	srdreg.scid;
	s10 =	stileid.u32  }
0x8: {  	s2 =	rddreg [dreg:$0x6];
	s15 =	simm.s32 $0x2780;
	s28 =	simm.s32 $0x4E40  }
0x9: {  	s29 =	simm.s32 $0x28;
	s30 =	simm.s32 $0x6300;
	s31 =	simm.s32 $0x7700  }
0xa: {  	s8 =	sand.u32 $0x1, s3;
	s4 =	sshll.u32 s10, $0x1;
	s12 =	smul.u32 $0x4E000, s10  }
0xb: {  	s3 =	simm.s32 $0x0;
	s14 =	smul.u32 $0x13800, s10;
	p0 =	sne.s32 s10, $0x0  }
0xc: {  	s26 =	sshll.u32 s10, $0x6;
	s10 =	simm.s32 $0x3;
	s4 =	sor.u32 s8, s4  }
0xd: {  	[smem:$0x7FF] =	sst s3;
	s13 =	ssub.s32 $0x2, s8;
	s8 =	smul.u32 $0x138800, s8  }
0xe: {  	s11 =	smul.u32 $0x4E2, s4;
	_ =	strace $0x80000047;
	s4 =	sadd.s32 $0xC00, s6  }
0xf: {  	s6 =	sadd.s32 $0x600, s6;
	s16 =	sshrl.u32 s13, $0x1;
	s18 =	sshrl.u32 s12, $0x2  }
0x10: {  	[dreg:$0x8] =	wrdreg s6;
	s6 =	ssub.s32 s13, s16;
	s19 =	sadd.s32 s14, s8  }
0x11: {  	s20 =	sshrl.u32 s8, $0x3;
	s8 =	sadd.s32 s18, s2;
	s14 =	simm.s32 $0x7  }
0x12: {  	s16 =	sor.u32 $0x1C07, s26;
	s26 =	simm.s32 $0x4DF0;
	s1 =	sadd.s32 s1, s11  }
0x13: {  	s17 =	sadd.s32 s5, s11;
	s21 =	sshrl.u32 s19, $0x3;
	s22 =	sadd.s32 $0x27000, s20  }
0x14: {  	s11 =	sadd.s32 $0x138000, s2;
	s25 =	smax.u32 s6, $0x1;
	s19 =	simm.s32 $0x4F00  }
0x15: {  	s20 =	simm.s32 $0x50;
	s5 =	simm.s32 $0x1;
	[dreg:$0x9] =	wrdreg s1  }
0x16: {  	s6 =	simm.s32 $0x9F00;
	[dreg:$0xa] =	wrdreg s17;
	s23 =	sadd.s32 s9, s21  }
0x17: {  	s9 =	sadd.s32 s9, s22;
	s1 =	sadd.s32 s7, s21;
	[dreg:$0xf] =	wrdreg s25  }
0x18: {  	s24 =	sadd.s32 s7, s22;
	s17 =	sshrl.u32 s8, $0x3;
	[dreg:$0xb] =	wrdreg s23  }
0x19: {  	s18 =	sshrl.u32 @!p0 s11, $0x3;
	s22 =	simm.s32 $0x2820;
	[dreg:$0xc] =	wrdreg s9  }
0x1a: {  	s25 =	simm.s32 $0x6;
	s7 =	simm.s32 $0xB300;
	[dreg:$0xd] =	wrdreg s1  }
0x1b: {  	s11 =	simm.s32 $0x0;
	[dreg:$0xe] =	wrdreg s24;
	s23 =	simm.s32 $0x4  }
0x1c: {  	s24 =	simm.s32 $0x5;
	s1 =	simm.s32 $0x8B00;
	s9 =	simm.s32 $0x2  }
.LBB2_1:
0x1d: {  	s12 =	rddreg [dreg:$0x9]  }
0x1e: {  	[tilespmem:s3], [sflag:$0x7] =	stream.linear.gather [hbm4b:s12+s3], $0x2710, $0x38;
	[tilespmem:$0x1FF80] =	vst v63  }
0x1f: {  	_ =	swait.ge [sflag:s14], $0x2710  }
0x20: {  	[sflag:s14] =	ssyncset.done $0x0  }
0x21: {  	s21 =	rddreg [dreg:$0xa];
	[sflag:s14] =	ssyncadd.s32 $0xFFFFD8F0  }
0x22: {  	[tilespmem:s15], [sflag:$0x7] =	stream.linear.gather [hbm4b:s21+s3], $0x2710, $0x38;
	[tilespmem:$0x1FF80] =	vst v63  }
0x23: {  	_ =	swait.ge [sflag:s14], $0x2710  }
0x24: {  	[sflag:s14] =	ssyncset.done $0x0  }
0x25: {  	[sflag:s14] =	ssyncadd.s32 $0xFFFFD8F0  }
0x26: {  	[spmem:s17], [sflag:s16] =	dma.local [hbm:s4], $0x2700  }
0x27: {  	_ =	swait.ge [sflag:s14], $0x2700  }
0x28: {  	[sflag:s14] =	ssyncset.done $0x0  }
0x29: {  	s12 =	simm.s32 @!p0 $0x7;
	[sflag:s14] =	ssyncadd.s32 $0xFFFFD900  }
0x2a: {  	[spmem:s18], [sflag:s16] =	dma.local @!p0 [hbm:s4], $0x100  }
0x2b: {  	_ =	swait.ge @!p0 [sflag:s12], $0x100  }
0x2c: {  	[sflag:s12] =	ssyncset.done @!p0 $0x0  }
0x2d: {  	s13 =	rddreg [dreg:$0x8];
	[sflag:s12] =	ssyncadd.s32 @!p0 $0xFFFFFF00  }
0x2e: {  	[tilespmem:s19], [sflag:$0x7] =	stream.linear.gather [hbm4b:s13+s3], $0x2800, $0x38;
	[tilespmem:$0x1FF80] =	vst v63  }
0x2f: {  	_ =	swait.ge [sflag:s14], $0x2800  }
0x30: {  	[sflag:s14] =	ssyncset.done $0x0  }
0x31: {  	[sflag:s14] =	ssyncadd.s32 $0xFFFFD800  }
0x32: {  	[bflag:$0x0] =	sbarrier.arrive $0xFFFF  }
0x33: {  	[spmem:s2] =	stream.indirect.scatter.add.f32 [tilespmem:s19], [sflag:$0x4], $0x80, s15, s20, $0xb8;
	[tilespmem:$0x1FF80] =	vst v63  }
0x34: {  	s21 =	simm.s32 $0x27D0  }
0x35: {  	[spmem:s2] =	stream.indirect.scatter.add.f32 [tilespmem:s19], [sflag:$0x5], $0x80, s21, s20, $0xb8;
	[tilespmem:$0x1FF80] =	vst v63  }
0x36: {  	_ = 	snop  }
0x37: {  	[spmem:s2] =	stream.indirect.scatter.add.f32 [tilespmem:s19], [sflag:$0x6], $0x80, s22, s20, $0xb8;
	[tilespmem:$0x1FF80] =	vst v63  }
0x38: {  	_ =	swait.ge [sflag:s23], $0x2800  }
0x39: {  	[sflag:s23] =	ssyncset.done $0x0  }
0x3a: {  	s13 =	simm.s32 $0x2870;
	[sflag:s23] =	ssyncadd.s32 $0xFFFFD800  }
0x3b: {  	[spmem:s2] =	stream.indirect.scatter.add.f32 [tilespmem:s19], [sflag:$0x4], $0x80, s13, s20, $0xb8;
	[tilespmem:$0x1FF80] =	vst v63  }
0x3c: {  	_ =	swait.ge [sflag:s24], $0x2800  }
0x3d: {  	[sflag:s24] =	ssyncset.done $0x0  }
0x3e: {  	s21 =	simm.s32 $0x28C0;
	[sflag:s24] =	ssyncadd.s32 $0xFFFFD800  }
0x3f: {  	[spmem:s2] =	stream.indirect.scatter.add.f32 [tilespmem:s19], [sflag:$0x5], $0x80, s21, s20, $0xb8;
	[tilespmem:$0x1FF80] =	vst v63  }
0x40: {  	_ =	swait.ge [sflag:s25], $0x2800  }
0x41: {  	[sflag:s25] =	ssyncset.done $0x0  }
0x42: {  	s12 =	simm.s32 $0xFFFF6DC0;
	s13 =	simm.s32 $0x2910;
	[sflag:s25] =	ssyncadd.s32 $0xFFFFD800  }
.LBB2_2:
0x43: {  	[spmem:s2] =	stream.indirect.scatter.add.f32 [tilespmem:s19], [sflag:$0x6], $0x80, s13, s20, $0xb8;
	[tilespmem:$0x1FF80] =	vst v63  }
0x44: {  	s13 =	smov.u32 s12  }
0x45: {  	p1 =	sne.s32 s12, $0xFFFFFC40;
	s12 =	sadd.s32 $0x3C0, s12;
	_ =	swait.ge [sflag:s23], $0x2800  }
0x46: {  	s13 =	sshra.s32 s13, $0x2;
	[sflag:s23] =	ssyncset.done $0x0  }
0x47: {  	s21 =	sadd.s32 $0x4DF0, s13;
	[sflag:s23] =	ssyncadd.s32 $0xFFFFD800  }
0x48: {  	[spmem:s2] =	stream.indirect.scatter.add.f32 [tilespmem:s19], [sflag:$0x4], $0x80, s21, s20, $0xb8;
	[tilespmem:$0x1FF80] =	vst v63  }
0x49: {  	_ =	swait.ge [sflag:s24], $0x2800  }
0x4a: {  	[sflag:s24] =	ssyncset.done $0x0  }
.Ltmp0:
0x4b: {  	s21 =	sadd.s32 $0x4E40, s13;
	[sflag:s24] =	ssyncadd.s32 $0xFFFFD800;
	(pc) =	sbr.rel @p1 .LBB2_2-.Ltmp0, $4  }
0x4c: {  	[spmem:s2] =	stream.indirect.scatter.add.f32 [tilespmem:s19], [sflag:$0x5], $0x80, s21, s20, $0xb8;
	[tilespmem:$0x1FF80] =	vst v63  }
0x4d: {  	_ =	swait.ge [sflag:s25], $0x2800  }
0x4e: {  	[sflag:s25] =	ssyncset.done $0x0  }
0x4f: {  	s13 =	sadd.s32 $0x4E90, s13;
	[sflag:s25] =	ssyncadd.s32 $0xFFFFD800  }
0x50: {  	[spmem:s2] =	stream.indirect.scatter.add.f32 [tilespmem:s19], [sflag:$0x6], $0x80, s13, s20, $0xb8;
	[tilespmem:$0x1FF80] =	vst v63  }
0x51: {  	_ =	swait.ge [sflag:s23], $0x2800  }
0x52: {  	[sflag:s23] =	ssyncset.done $0x0  }
0x53: {  	[sflag:s23] =	ssyncadd.s32 $0xFFFFD800  }
0x54: {  	[spmem:s2] =	stream.indirect.scatter.add.f32 [tilespmem:s19], [sflag:$0x4], $0x80, s26, s20, $0xb8;
	[tilespmem:$0x1FF80] =	vst v63  }
0x55: {  	_ =	swait.ge [sflag:s24], $0x2800  }
0x56: {  	[sflag:s24] =	ssyncset.done $0x0  }
0x57: {  	[sflag:s24] =	ssyncadd.s32 $0xFFFFD800  }
0x58: {  	[spmem:s2] =	stream.indirect.scatter.add.f32 [tilespmem:s19], [sflag:$0x5], $0x80, s28, s20, $0xb8;
	[tilespmem:$0x1FF80] =	vst v63  }
0x59: {  	_ =	swait.ge [sflag:s25], $0x2800  }
0x5a: {  	[sflag:s25] =	ssyncset.done $0x0  }
0x5b: {  	[sflag:s25] =	ssyncadd.s32 $0xFFFFD800  }
0x5c: {  	_ =	swait.ge [sflag:s23], $0x2800  }
0x5d: {  	[sflag:s23] =	ssyncset.done $0x0  }
0x5e: {  	[sflag:s23] =	ssyncadd.s32 $0xFFFFD800  }
0x5f: {  	_ =	swait.ge [sflag:s24], $0x2800  }
0x60: {  	[sflag:s24] =	ssyncset.done $0x0  }
0x61: {  	[sflag:s24] =	ssyncadd.s32 $0xFFFFD800  }
0x62: {  	[bflag:$0x0] =	sbarrier.arrive $0xFFFF  }
0x63: {  	s12 =	rddreg [dreg:$0xb]  }
0x64: {  	[hbm:s12], [sflag:s16] =	dma.local [spmem:s17], $0x2700  }
0x65: {  	_ =	swait.ge [sflag:s14], $0x2700  }
0x66: {  	[sflag:s14] =	ssyncset.done $0x0  }
0x67: {  	[sflag:s14] =	ssyncadd.s32 $0xFFFFD900  }
0x68: {  	s12 =	sshrl.u32 @p0 s8, $0x3;
	[bflag:$0x0] =	sbarrier.arrive @p0 $0xFFFF  }
0x69: {  	[spmem:s12], [sflag:s16] =	dma.local @p0 [hbm:s4], $0x2700  }
0x6a: {  	s12 =	simm.s32 @p0 $0x7  }
0x6b: {  	_ =	swait.ge @p0 [sflag:s12], $0x2700  }
0x6c: {  	[sflag:s12] =	ssyncset.done @p0 $0x0  }
0x6d: {  	[sflag:s12] =	ssyncadd.s32 @p0 $0xFFFFD900;
	s12 =	rddreg [dreg:$0xc]  }
0x6e: {  	[hbm:s12], [sflag:s16] =	dma.local @!p0 [spmem:s18], $0x100  }
0x6f: {  	s12 =	simm.s32 @!p0 $0x7  }
0x70: {  	_ =	swait.ge @!p0 [sflag:s12], $0x100  }
0x71: {  	[sflag:s12] =	ssyncset.done @!p0 $0x0  }
0x72: {  	[sflag:s12] =	ssyncadd.s32 @!p0 $0xFFFFFF00  }
0x73: {  	s13 =	sshrl.u32 @!p0 s8, $0x3;
	[bflag:$0x0] =	sbarrier.arrive @!p0 $0xFFFF  }
0x74: {  	[spmem:s13], [sflag:s16] =	dma.local @!p0 [hbm:s4], $0x2700  }
0x75: {  	_ =	swait.ge @!p0 [sflag:s12], $0x2700  }
0x76: {  	[sflag:s12] =	ssyncset.done @!p0 $0x0  }
0x77: {  	[sflag:s12] =	ssyncadd.s32 @!p0 $0xFFFFD900  }
0x78: {  	[spmem:s18], [sflag:s16] =	dma.local @!p0 [hbm:s4], $0x100  }
0x79: {  	_ =	swait.ge @!p0 [sflag:s12], $0x100  }
0x7a: {  	[sflag:s12] =	ssyncset.done @!p0 $0x0  }
0x7b: {  	[sflag:s12] =	ssyncadd.s32 @!p0 $0xFFFFFF00  }
0x7c: {  	s21 =	simm.s32 $0x0;
	[bflag:$0x0] =	sbarrier.arrive $0xFFFF  }
0x7d: {  	[tilespmem:s19], [sflag:$0x1] =	stream.indirect.gather [hbm4b:s0+s29], $0x80, s21, s29, $0xb8;
	[tilespmem:$0x1FF80] =	vst v63  }
0x7e: {  	_ = 	snop  }
0x7f: {  	[tilespmem:s30], [sflag:$0x1] =	stream.indirect.gather [hbm4b:s0+s29], $0x80, s29, s29, $0xb8;
	[tilespmem:$0x1FF80] =	vst v63  }
0x80: {  	_ = 	snop  }
0x81: {  	[tilespmem:s31], [sflag:$0x2] =	stream.indirect.gather [hbm4b:s0+s29], $0x80, s20, s29, $0xb8;
	[tilespmem:$0x1FF80] =	vst v63  }
0x82: {  	s13 =	simm.s32 $0x78  }
0x83: {  	[tilespmem:s1], [sflag:$0x2] =	stream.indirect.gather [hbm4b:s0+s29], $0x80, s13, s29, $0xb8;
	[tilespmem:$0x1FF80] =	vst v63  }
0x84: {  	_ =	swait.ge [sflag:s5], $0x1400  }
0x85: {  	[sflag:s5] =	ssyncset.done $0x0  }
0x86: {  	[sflag:s5] =	ssyncadd.s32 $0xFFFFEC00  }
0x87: {  	_ =	swait.ge [sflag:s5], $0x1400  }
0x88: {  	[sflag:s5] =	ssyncset.done $0x0  }
0x89: {  	[sflag:s5] =	ssyncadd.s32 $0xFFFFEC00  }
0x8a: {  	[spmem:s2] =	stream.indirect.scatter.add.f32 [tilespmem:s19], [sflag:$0x4], $0x80, s15, s20, $0xb8;
	[tilespmem:$0x1FF80] =	vst v63  }
0x8b: {  	s21 =	simm.s32 $0xA0  }
0x8c: {  	[tilespmem:s6], [sflag:$0x3] =	stream.indirect.gather [hbm4b:s0+s29], $0x80, s21, s29, $0xb8;
	[tilespmem:$0x1FF80] =	vst v63  }
0x8d: {  	s13 =	simm.s32 $0xC8  }
0x8e: {  	[tilespmem:s7], [sflag:$0x3] =	stream.indirect.gather [hbm4b:s0+s29], $0x80, s13, s29, $0xb8;
	[tilespmem:$0x1FF80] =	vst v63  }
0x8f: {  	_ =	swait.ge [sflag:s9], $0x1400  }
0x90: {  	[sflag:s9] =	ssyncset.done $0x0  }
0x91: {  	[sflag:s9] =	ssyncadd.s32 $0xFFFFEC00  }
0x92: {  	_ =	swait.ge [sflag:s9], $0x1400  }
0x93: {  	[sflag:s9] =	ssyncset.done $0x0  }
0x94: {  	s21 =	simm.s32 $0x27D0;
	[sflag:s9] =	ssyncadd.s32 $0xFFFFEC00  }
0x95: {  	[spmem:s2] =	stream.indirect.scatter.add.f32 [tilespmem:s31], [sflag:$0x5], $0x80, s21, s20, $0xb8;
	[tilespmem:$0x1FF80] =	vst v63  }
0x96: {  	_ =	swait.ge [sflag:s23], $0x2800  }
0x97: {  	[sflag:s23] =	ssyncset.done $0x0  }
0x98: {  	s13 =	simm.s32 $0xF0;
	[sflag:s23] =	ssyncadd.s32 $0xFFFFD800  }
0x99: {  	[tilespmem:s19], [sflag:$0x1] =	stream.indirect.gather [hbm4b:s0+s29], $0x80, s13, s29, $0xb8;
	[tilespmem:$0x1FF80] =	vst v63  }
0x9a: {  	s21 =	simm.s32 $0x118  }
0x9b: {  	[tilespmem:s30], [sflag:$0x1] =	stream.indirect.gather [hbm4b:s0+s29], $0x80, s21, s29, $0xb8;
	[tilespmem:$0x1FF80] =	vst v63  }
0x9c: {  	_ =	swait.ge [sflag:s10], $0x1400  }
0x9d: {  	[sflag:s10] =	ssyncset.done $0x0  }
0x9e: {  	[sflag:s10] =	ssyncadd.s32 $0xFFFFEC00  }
0x9f: {  	_ =	swait.ge [sflag:s10], $0x1400  }
0xa0: {  	[sflag:s10] =	ssyncset.done $0x0  }
0xa1: {  	[sflag:s10] =	ssyncadd.s32 $0xFFFFEC00  }
0xa2: {  	[spmem:s2] =	stream.indirect.scatter.add.f32 [tilespmem:s6], [sflag:$0x6], $0x80, s22, s20, $0xb8;
	[tilespmem:$0x1FF80] =	vst v63  }
0xa3: {  	_ =	swait.ge [sflag:s24], $0x2800  }
0xa4: {  	[sflag:s24] =	ssyncset.done $0x0  }
0xa5: {  	s13 =	simm.s32 $0x140;
	[sflag:s24] =	ssyncadd.s32 $0xFFFFD800  }
0xa6: {  	[tilespmem:s31], [sflag:$0x2] =	stream.indirect.gather [hbm4b:s0+s29], $0x80, s13, s29, $0xb8;
	[tilespmem:$0x1FF80] =	vst v63  }
0xa7: {  	s21 =	simm.s32 $0x168  }
0xa8: {  	[tilespmem:s1], [sflag:$0x2] =	stream.indirect.gather [hbm4b:s0+s29], $0x80, s21, s29, $0xb8;
	[tilespmem:$0x1FF80] =	vst v63  }
0xa9: {  	_ =	swait.ge [sflag:s5], $0x1400  }
0xaa: {  	[sflag:s5] =	ssyncset.done $0x0  }
0xab: {  	[sflag:s5] =	ssyncadd.s32 $0xFFFFEC00  }
0xac: {  	_ =	swait.ge [sflag:s5], $0x1400  }
0xad: {  	[sflag:s5] =	ssyncset.done $0x0  }
0xae: {  	s13 =	simm.s32 $0x2870;
	[sflag:s5] =	ssyncadd.s32 $0xFFFFEC00  }
0xaf: {  	[spmem:s2] =	stream.indirect.scatter.add.f32 [tilespmem:s19], [sflag:$0x4], $0x80, s13, s20, $0xb8;
	[tilespmem:$0x1FF80] =	vst v63  }
0xb0: {  	_ =	swait.ge [sflag:s25], $0x2800  }
0xb1: {  	[sflag:s25] =	ssyncset.done $0x0  }
0xb2: {  	s21 =	simm.s32 $0x190;
	[sflag:s25] =	ssyncadd.s32 $0xFFFFD800  }
0xb3: {  	[tilespmem:s6], [sflag:$0x3] =	stream.indirect.gather [hbm4b:s0+s29], $0x80, s21, s29, $0xb8;
	[tilespmem:$0x1FF80] =	vst v63  }
0xb4: {  	s13 =	simm.s32 $0x1B8  }
0xb5: {  	[tilespmem:s7], [sflag:$0x3] =	stream.indirect.gather [hbm4b:s0+s29], $0x80, s13, s29, $0xb8;
	[tilespmem:$0x1FF80] =	vst v63  }
0xb6: {  	_ =	swait.ge [sflag:s9], $0x1400  }
0xb7: {  	[sflag:s9] =	ssyncset.done $0x0  }
0xb8: {  	[sflag:s9] =	ssyncadd.s32 $0xFFFFEC00  }
0xb9: {  	_ =	swait.ge [sflag:s9], $0x1400  }
0xba: {  	[sflag:s9] =	ssyncset.done $0x0  }
0xbb: {  	s21 =	simm.s32 $0x28C0;
	[sflag:s9] =	ssyncadd.s32 $0xFFFFEC00  }
0xbc: {  	[spmem:s2] =	stream.indirect.scatter.add.f32 [tilespmem:s31], [sflag:$0x5], $0x80, s21, s20, $0xb8;
	[tilespmem:$0x1FF80] =	vst v63  }
0xbd: {  	_ =	swait.ge [sflag:s23], $0x2800  }
0xbe: {  	[sflag:s23] =	ssyncset.done $0x0  }
0xbf: {  	s13 =	simm.s32 $0x1E0;
	[sflag:s23] =	ssyncadd.s32 $0xFFFFD800  }
0xc0: {  	[tilespmem:s19], [sflag:$0x1] =	stream.indirect.gather [hbm4b:s0+s29], $0x80, s13, s29, $0xb8;
	[tilespmem:$0x1FF80] =	vst v63  }
0xc1: {  	s21 =	simm.s32 $0x208  }
0xc2: {  	[tilespmem:s30], [sflag:$0x1] =	stream.indirect.gather [hbm4b:s0+s29], $0x80, s21, s29, $0xb8;
	[tilespmem:$0x1FF80] =	vst v63  }
0xc3: {  	_ =	swait.ge [sflag:s10], $0x1400  }
0xc4: {  	[sflag:s10] =	ssyncset.done $0x0  }
0xc5: {  	[sflag:s10] =	ssyncadd.s32 $0xFFFFEC00  }
0xc6: {  	_ =	swait.ge [sflag:s10], $0x1400  }
0xc7: {  	[sflag:s10] =	ssyncset.done $0x0  }
0xc8: {  	s12 =	simm.s32 $0x3C0;
	s13 =	simm.s32 $0x2910;
	[sflag:s10] =	ssyncadd.s32 $0xFFFFEC00  }
.LBB2_4:
0xc9: {  	[spmem:s2] =	stream.indirect.scatter.add.f32 [tilespmem:s6], [sflag:$0x6], $0x80, s13, s20, $0xb8;
	[tilespmem:$0x1FF80] =	vst v63  }
0xca: {  	s13 =	smov.u32 s12  }
0xcb: {  	p1 =	sne.s32 s12, $0x9240;
	s12 =	sadd.s32 $0x3C0, s12;
	_ =	swait.ge [sflag:s24], $0x2800  }
0xcc: {  	s13 =	sshra.s32 s13, $0x2;
	[sflag:s24] =	ssyncset.done $0x0  }
0xcd: {  	s21 =	sadd.s32 $0x140, s13;
	[sflag:s24] =	ssyncadd.s32 $0xFFFFD800  }
0xce: {  	[tilespmem:s31], [sflag:$0x2] =	stream.indirect.gather [hbm4b:s0+s29], $0x80, s21, s29, $0xb8;
	[tilespmem:$0x1FF80] =	vst v63  }
0xcf: {  	s21 =	sadd.s32 $0x168, s13  }
0xd0: {  	[tilespmem:s1], [sflag:$0x2] =	stream.indirect.gather [hbm4b:s0+s29], $0x80, s21, s29, $0xb8;
	[tilespmem:$0x1FF80] =	vst v63  }
0xd1: {  	_ =	swait.ge [sflag:s5], $0x1400  }
0xd2: {  	[sflag:s5] =	ssyncset.done $0x0  }
0xd3: {  	[sflag:s5] =	ssyncadd.s32 $0xFFFFEC00  }
0xd4: {  	_ =	swait.ge [sflag:s5], $0x1400  }
0xd5: {  	[sflag:s5] =	ssyncset.done $0x0  }
0xd6: {  	s21 =	sadd.s32 $0x2870, s13;
	[sflag:s5] =	ssyncadd.s32 $0xFFFFEC00  }
0xd7: {  	[spmem:s2] =	stream.indirect.scatter.add.f32 [tilespmem:s19], [sflag:$0x4], $0x80, s21, s20, $0xb8;
	[tilespmem:$0x1FF80] =	vst v63  }
0xd8: {  	_ =	swait.ge [sflag:s25], $0x2800  }
0xd9: {  	[sflag:s25] =	ssyncset.done $0x0  }
0xda: {  	s21 =	sadd.s32 $0x190, s13;
	[sflag:s25] =	ssyncadd.s32 $0xFFFFD800  }
0xdb: {  	[tilespmem:s6], [sflag:$0x3] =	stream.indirect.gather [hbm4b:s0+s29], $0x80, s21, s29, $0xb8;
	[tilespmem:$0x1FF80] =	vst v63  }
0xdc: {  	s21 =	sadd.s32 $0x1B8, s13  }
0xdd: {  	[tilespmem:s7], [sflag:$0x3] =	stream.indirect.gather [hbm4b:s0+s29], $0x80, s21, s29, $0xb8;
	[tilespmem:$0x1FF80] =	vst v63  }
0xde: {  	_ =	swait.ge [sflag:s9], $0x1400  }
0xdf: {  	[sflag:s9] =	ssyncset.done $0x0  }
0xe0: {  	[sflag:s9] =	ssyncadd.s32 $0xFFFFEC00  }
0xe1: {  	_ =	swait.ge [sflag:s9], $0x1400  }
0xe2: {  	[sflag:s9] =	ssyncset.done $0x0  }
0xe3: {  	s21 =	sadd.s32 $0x28C0, s13;
	[sflag:s9] =	ssyncadd.s32 $0xFFFFEC00  }
0xe4: {  	[spmem:s2] =	stream.indirect.scatter.add.f32 [tilespmem:s31], [sflag:$0x5], $0x80, s21, s20, $0xb8;
	[tilespmem:$0x1FF80] =	vst v63  }
0xe5: {  	_ =	swait.ge [sflag:s23], $0x2800  }
0xe6: {  	[sflag:s23] =	ssyncset.done $0x0  }
0xe7: {  	s21 =	sadd.s32 $0x1E0, s13;
	[sflag:s23] =	ssyncadd.s32 $0xFFFFD800  }
0xe8: {  	[tilespmem:s19], [sflag:$0x1] =	stream.indirect.gather [hbm4b:s0+s29], $0x80, s21, s29, $0xb8;
	[tilespmem:$0x1FF80] =	vst v63  }
0xe9: {  	s21 =	sadd.s32 $0x208, s13  }
0xea: {  	[tilespmem:s30], [sflag:$0x1] =	stream.indirect.gather [hbm4b:s0+s29], $0x80, s21, s29, $0xb8;
	[tilespmem:$0x1FF80] =	vst v63  }
0xeb: {  	_ =	swait.ge [sflag:s10], $0x1400  }
.Ltmp1:
0xec: {  	[sflag:s10] =	ssyncset.done $0x0;
	(pc) =	sbr.rel @p1 .LBB2_4-.Ltmp1, $4  }
0xed: {  	[sflag:s10] =	ssyncadd.s32 $0xFFFFEC00  }
0xee: {  	_ =	swait.ge [sflag:s10], $0x1400  }
0xef: {  	[sflag:s10] =	ssyncset.done $0x0  }
0xf0: {  	s13 =	sadd.s32 $0x2910, s13;
	[sflag:s10] =	ssyncadd.s32 $0xFFFFEC00  }
0xf1: {  	[spmem:s2] =	stream.indirect.scatter.add.f32 [tilespmem:s6], [sflag:$0x6], $0x80, s13, s20, $0xb8;
	[tilespmem:$0x1FF80] =	vst v63  }
0xf2: {  	_ =	swait.ge [sflag:s24], $0x2800  }
0xf3: {  	[sflag:s24] =	ssyncset.done $0x0  }
0xf4: {  	s12 =	simm.s32 $0x26C0;
	[sflag:s24] =	ssyncadd.s32 $0xFFFFD800  }
0xf5: {  	[tilespmem:s31], [sflag:$0x2] =	stream.indirect.gather [hbm4b:s0+s29], $0x80, s12, s29, $0xb8;
	[tilespmem:$0x1FF80] =	vst v63  }
0xf6: {  	s21 =	simm.s32 $0x26E8  }
0xf7: {  	[tilespmem:s1], [sflag:$0x2] =	stream.indirect.gather [hbm4b:s0+s29], $0x80, s21, s29, $0xb8;
	[tilespmem:$0x1FF80] =	vst v63  }
0xf8: {  	_ =	swait.ge [sflag:s5], $0x1400  }
0xf9: {  	[sflag:s5] =	ssyncset.done $0x0  }
0xfa: {  	[sflag:s5] =	ssyncadd.s32 $0xFFFFEC00  }
0xfb: {  	_ =	swait.ge [sflag:s5], $0x1400  }
0xfc: {  	[sflag:s5] =	ssyncset.done $0x0  }
0xfd: {  	[sflag:s5] =	ssyncadd.s32 $0xFFFFEC00  }
0xfe: {  	[spmem:s2] =	stream.indirect.scatter.add.f32 [tilespmem:s19], [sflag:$0x4], $0x80, s26, s20, $0xb8;
	[tilespmem:$0x1FF80] =	vst v63  }
0xff: {  	_ =	swait.ge [sflag:s9], $0x1400  }
0x100: {  	[sflag:s9] =	ssyncset.done $0x0  }
0x101: {  	[sflag:s9] =	ssyncadd.s32 $0xFFFFEC00  }
0x102: {  	_ =	swait.ge [sflag:s9], $0x1400  }
0x103: {  	[sflag:s9] =	ssyncset.done $0x0  }
0x104: {  	[sflag:s9] =	ssyncadd.s32 $0xFFFFEC00  }
0x105: {  	[spmem:s2] =	stream.indirect.scatter.add.f32 [tilespmem:s31], [sflag:$0x5], $0x80, s28, s20, $0xb8;
	[tilespmem:$0x1FF80] =	vst v63  }
0x106: {  	_ =	swait.ge [sflag:s25], $0x2800  }
0x107: {  	[sflag:s25] =	ssyncset.done $0x0  }
0x108: {  	[sflag:s25] =	ssyncadd.s32 $0xFFFFD800  }
0x109: {  	_ =	swait.ge [sflag:s23], $0x2800  }
0x10a: {  	[sflag:s23] =	ssyncset.done $0x0  }
0x10b: {  	[sflag:s23] =	ssyncadd.s32 $0xFFFFD800  }
0x10c: {  	_ =	swait.ge [sflag:s24], $0x2800  }
0x10d: {  	[sflag:s24] =	ssyncset.done $0x0  }
0x10e: {  	[sflag:s24] =	ssyncadd.s32 $0xFFFFD800  }
0x10f: {  	[bflag:$0x0] =	sbarrier.arrive $0xFFFF  }
0x110: {  	s13 =	rddreg [dreg:$0xd]  }
0x111: {  	[hbm:s13], [sflag:s16] =	dma.local [spmem:s17], $0x2700  }
0x112: {  	_ =	swait.ge [sflag:s14], $0x2700  }
0x113: {  	[sflag:s14] =	ssyncset.done $0x0  }
0x114: {  	s12 =	rddreg [dreg:$0xe];
	[sflag:s14] =	ssyncadd.s32 $0xFFFFD900  }
0x115: {  	[hbm:s12], [sflag:s16] =	dma.local @!p0 [spmem:s18], $0x100  }
0x116: {  	s12 =	simm.s32 @!p0 $0x7  }
0x117: {  	_ =	swait.ge @!p0 [sflag:s12], $0x100  }
0x118: {  	s11 =	sadd.s32 $0x1, s11;
	s21 =	rddreg [dreg:$0xf]  }
0x119: {  	p1 =	sne.s32 s11, s21  }
.Ltmp2:
0x11a: {  	_ = 	snop;
	(pc) =	sbr.rel @p1 .LBB2_1-.Ltmp2, $3  }
0x11b: {  	_ =	sdelay $0x1  }
0x11c: {  	[sflag:s12] =	ssyncset.done @!p0 $0x0  }
0x11d: {  	[sflag:s12] =	ssyncadd.s32 @!p0 $0xFFFFFF00  }
0x11e: {  	_ =	sfence.sel $0x180000  }
0x11f: {  	[bflag:$0x0] =	sbarrier.arrive $0xFFFF  }
0x120: {  	_ =	strace $0x90000047  }
0x121: {  	[bflag:$0x2] =	sbarrier.arrive $0xFFFF  }
0x122: {  	s0 =	rddreg [dreg:$0x7]  }
0x123: {  	s0 =	sadd.s32 @!p0 $0x100000, s0  }
0x124: {  	[sflag:s0] =	ssyncadd.tile.s32 @!p0 $0x1;
	_ =	shalt  }
.Lfunc_end2:
_tile_overlayer_lowered:
.L_overlay_start_2:
0x125: {  	(tag) =	ssettag $0x2  }
0x126: {  	s0 =	rddreg [dreg:$0x0];
	s2 =	stileid.u32  }
0x127: {  	s1 =	rddreg [dreg:$0x1];
	p0 =	sne.s32 s2, $0x0  }
0x128: {  	s3 =	rddreg [dreg:$0x2];
	[bflag:$0x3] =	sbarrier.arrive $0xFFFF;
	s2 =	simm.s32 @!p0 $0x1C07  }
0x129: {  	[timem:s3], [sflag:s2] =	dma.local @!p0 [hbm:s0], s1  }
0x12a: {  	s0 =	simm.s32 @!p0 $0x7  }
0x12b: {  	_ =	swait.ge @!p0 [sflag:s0], s1  }
0x12c: {  	s1 =	ssub.s32 @!p0 $0x0, s1;
	[sflag:s0] =	ssyncset.done @!p0 $0x0  }
0x12d: {  	[sflag:s0] =	ssyncadd.s32 @!p0 s1  }
0x12e: {  	[bflag:$0x3] =	sbarrier.arrive $0xFFFF  }
0x12f: {  	_ =	shalt  }

</sc_bundles>
